<compile_context>
chip_gen: v7x
topology: tpu7x:2x2x1
jax: 0.10.2.dev20260603
libtpu: 0.0.44.dev20260713+nightly
codegen_flags: <defaults>
</compile_context>

<pallas_src>
import functools

import jax
import jax.numpy as jnp
from jax import lax
from jax.experimental import pallas as pl
from jax.experimental.pallas import tpu as pltpu
from jax.experimental.pallas import tpu_sc as plsc

_NC = 2
_NS = 16
_LANES = 16
_CHUNK = 128
_G = 64


@functools.lru_cache(maxsize=None)
def _make_sc_agg(N_acc, D, E_pad):
    NW = _NC * _NS
    assert E_pad % (_CHUNK * NW) == 0 and N_acc % _NS == 0 and D % _LANES == 0
    n_chunks = E_pad // _CHUNK
    base = n_chunks // NW
    rows_per_sub = N_acc // _NS
    full = rows_per_sub // _CHUNK
    tail = rows_per_sub % _CHUNK
    mesh = plsc.VectorSubcoreMesh(core_axis_name="c", subcore_axis_name="s",
                                  num_cores=_NC, num_subcores=_NS)

    def body(x_hbm, src_hbm, dst_hbm, out_hbm, acc_shr, src_v, dst_v, rows_v,
             sem):
        cid = lax.axis_index("c")
        sid = lax.axis_index("s")
        wid = sid * _NC + cid

        zero16 = jnp.zeros((_LANES,), jnp.float32)

        def _zrow(r, carry):
            for l in range(D // _LANES):
                rows_v[r, pl.ds(l * _LANES, _LANES)] = zero16
            return carry

        lax.fori_loop(0, _CHUNK, _zrow, 0)
        base_row = sid * rows_per_sub
        for k in range(full):
            pltpu.sync_copy(rows_v,
                            acc_shr.at[pl.ds(base_row + k * _CHUNK, _CHUNK)])
        if tail:
            pltpu.sync_copy(rows_v.at[pl.ds(0, tail)],
                            acc_shr.at[pl.ds(base_row + full * _CHUNK, tail)])

        start_c = wid * base
        pltpu.sync_copy(src_hbm.at[pl.ds(start_c, base)], src_v)
        pltpu.sync_copy(dst_hbm.at[pl.ds(start_c, base)], dst_v)

        plsc.subcore_barrier()

        def _chunk(ci, carry):
            pltpu.async_copy(x_hbm.at[src_v.at[ci]], rows_v, sem).wait()
            pltpu.sync_copy(rows_v, acc_shr.at[dst_v.at[ci]], add=True)
            return carry

        lax.fori_loop(0, base, _chunk, 0)

        plsc.subcore_barrier()
        pltpu.sync_copy(acc_shr.at[pl.ds(base_row, rows_per_sub)],
                        out_hbm.at[cid, pl.ds(base_row, rows_per_sub)])

    return pl.kernel(
        body,
        out_type=jax.ShapeDtypeStruct((_NC, N_acc, D), jnp.float32),
        mesh=mesh,
        scratch_types=[
            pltpu.VMEM_SHARED((N_acc, D), jnp.float32),
            pltpu.VMEM((base, _CHUNK), jnp.int32),
            pltpu.VMEM((base, _CHUNK), jnp.int32),
            pltpu.VMEM((_CHUNK, D), jnp.float32),
            pltpu.SemaphoreType.DMA,
        ],
    )


def _tc_layer(p, x, WlT, WrT, b, BN):
    N, D = x.shape
    H = WlT.shape[1]
    NB = N // BN

    def body(p_ref, x_ref, wl_ref, wr_ref, b_ref, o_ref):
        agg = p_ref[0] + p_ref[1]
        acc = jnp.dot(agg, wl_ref[...], preferred_element_type=jnp.float32)
        acc += jnp.dot(x_ref[...], wr_ref[...],
                       preferred_element_type=jnp.float32)
        o_ref[...] = jnp.maximum(acc + b_ref[...], 0.0)

    return pl.pallas_call(
        body,
        grid=(NB,),
        in_specs=[
            pl.BlockSpec((_NC, BN, D), lambda i: (0, i, 0)),
            pl.BlockSpec((BN, D), lambda i: (i, 0)),
            pl.BlockSpec((D, H), lambda i: (0, 0)),
            pl.BlockSpec((D, H), lambda i: (0, 0)),
            pl.BlockSpec((1, H), lambda i: (0, 0)),
        ],
        out_specs=pl.BlockSpec((BN, H), lambda i: (i, 0)),
        out_shape=jax.ShapeDtypeStruct((N, H), jnp.float32),
    )(p, x, WlT, WrT, b)


def _tc_layer2_pool(p, h, WlT, WrT, b, batch3, BN):
    N, D = h.shape
    H = WlT.shape[1]
    NB = N // BN

    def body(p_ref, h_ref, wl_ref, wr_ref, b_ref, bt_ref, pooled_ref, cnt_ref):
        i = pl.program_id(0)
        agg = p_ref[0] + p_ref[1]
        acc = jnp.dot(agg, wl_ref[...], preferred_element_type=jnp.float32)
        acc += jnp.dot(h_ref[...], wr_ref[...],
                       preferred_element_type=jnp.float32)
        h2 = jnp.maximum(acc + b_ref[...], 0.0)
        bt = bt_ref[0]
        gids = lax.broadcasted_iota(jnp.int32, (_G, BN), 0)
        mask = (gids == bt).astype(jnp.float32)
        psum = jnp.dot(mask, h2, preferred_element_type=jnp.float32)
        csum = jnp.sum(mask, axis=1, keepdims=True)

        @pl.when(i == 0)
        def _():
            pooled_ref[...] = psum
            cnt_ref[...] = csum

        @pl.when(i > 0)
        def _():
            pooled_ref[...] += psum
            cnt_ref[...] += csum

    return pl.pallas_call(
        body,
        grid=(NB,),
        in_specs=[
            pl.BlockSpec((_NC, BN, D), lambda i: (0, i, 0)),
            pl.BlockSpec((BN, D), lambda i: (i, 0)),
            pl.BlockSpec((D, H), lambda i: (0, 0)),
            pl.BlockSpec((D, H), lambda i: (0, 0)),
            pl.BlockSpec((1, H), lambda i: (0, 0)),
            pl.BlockSpec((1, 1, BN), lambda i: (i, 0, 0)),
        ],
        out_specs=[
            pl.BlockSpec((_G, H), lambda i: (0, 0)),
            pl.BlockSpec((_G, 1), lambda i: (0, 0)),
        ],
        out_shape=[
            jax.ShapeDtypeStruct((_G, H), jnp.float32),
            jax.ShapeDtypeStruct((_G, 1), jnp.float32),
        ],
    )(p, h, WlT, WrT, b, batch3)


def _tc_head(pooled, cnt, WfcT, bfc):
    O = WfcT.shape[1]

    def body(pooled_ref, cnt_ref, wfc_ref, bfc_ref, o_ref):
        mean = pooled_ref[...] / jnp.maximum(cnt_ref[...], 1.0)
        logits = jnp.dot(mean, wfc_ref[...],
                         preferred_element_type=jnp.float32) + bfc_ref[...]
        m = jnp.max(logits, axis=1, keepdims=True)
        shifted = logits - m
        lse = jnp.log(jnp.sum(jnp.exp(shifted), axis=1, keepdims=True))
        o_ref[...] = shifted - lse

    return pl.pallas_call(
        body,
        out_shape=jax.ShapeDtypeStruct((_G, O), jnp.float32),
    )(pooled, cnt, WfcT, bfc)


def kernel(x, edge_index, batch, W1l, b1l, W1r, W2l, b2l, W2r, Wfc, bfc):
    N, D = x.shape
    E = edge_index.shape[1]
    BN = 1000
    NW = _NC * _NS
    quantum = _CHUNK * NW * 8
    E_pad = -(-E // quantum) * quantum
    N_acc = -(-(N + 1) // 128) * 128
    pad = E_pad - E
    src = jnp.concatenate([edge_index[0],
                           jnp.zeros((pad,), jnp.int32)]).reshape(-1, _CHUNK)
    dst = jnp.concatenate([edge_index[1],
                           jnp.full((pad,), N, jnp.int32)]).reshape(-1, _CHUNK)
    batch3 = batch.reshape(N // BN, 1, BN)

    sc_agg = _make_sc_agg(N_acc, D, E_pad)
    p1 = sc_agg(x, src, dst)
    h1 = _tc_layer(p1, x, W1l.T, W1r.T, b1l.reshape(1, -1), BN)
    p2 = sc_agg(h1, src, dst)
    pooled, cnt = _tc_layer2_pool(p2, h1, W2l.T, W2r.T, b2l.reshape(1, -1),
                                  batch3, BN)
    return _tc_head(pooled, cnt, Wfc.T, bfc.reshape(1, -1))

# --- scband reference (transcript-rebuilt; emitter-appended) ---
"""Pipeline reference for scband-graph-sage-53815940219287 (READ-ONLY COPY).

The authoritative reference and input builder live on the scoring server;
editing this copy changes nothing except your own understanding.
"""

import jax, jax.numpy as jnp
import numpy as np

N = 10000
E = 320000
D = 128
H = 128
O = 64
G = 64


def setup_inputs(seed: int = 0) -> dict:
    key = jax.random.key(seed)
    ks = jax.random.split(key, 12)
    x = jax.random.normal(ks[0], (N, D), dtype=jnp.float32)
    edge_index = jax.random.randint(ks[1], (2, E), 0, N, dtype=jnp.int32)
    batch = jnp.sort(jax.random.randint(ks[2], (N,), 0, G, dtype=jnp.int32))
    s_in = 1.0 / np.sqrt(D)
    s_h = 1.0 / np.sqrt(H)
    W1l = jax.random.normal(ks[3], (H, D), dtype=jnp.float32) * s_in
    b1l = jnp.zeros((H,), dtype=jnp.float32)
    W1r = jax.random.normal(ks[4], (H, D), dtype=jnp.float32) * s_in
    W2l = jax.random.normal(ks[5], (H, H), dtype=jnp.float32) * s_h
    b2l = jnp.zeros((H,), dtype=jnp.float32)
    W2r = jax.random.normal(ks[6], (H, H), dtype=jnp.float32) * s_h
    Wfc = jax.random.normal(ks[7], (O, H), dtype=jnp.float32) * s_h
    bfc = jnp.zeros((O,), dtype=jnp.float32)
    return {"x": x, "edge_index": edge_index, "batch": batch,
            "W1l": W1l, "b1l": b1l, "W1r": W1r,
            "W2l": W2l, "b2l": b2l, "W2r": W2r,
            "Wfc": Wfc, "bfc": bfc}


def _sage_conv(x, edge_index, Wl, bl, Wr):
    # PyG SAGEConv with aggr='sum': out = lin_l(sum_{j in N(i)} x_j) + lin_r(x_i)
    src = edge_index[0]
    dst = edge_index[1]
    msgs = jnp.take(x, src, axis=0)
    agg = jax.ops.segment_sum(msgs, dst, num_segments=x.shape[0])
    return agg @ Wl.T + bl + x @ Wr.T


def reference(x, edge_index, batch, W1l, b1l, W1r, W2l, b2l, W2r, Wfc, bfc):
    h = jax.nn.relu(_sage_conv(x, edge_index, W1l, b1l, W1r))
    # dropout p=0.0 -> identity
    h = jax.nn.relu(_sage_conv(h, edge_index, W2l, b2l, W2r))
    # global_mean_pool over graph assignment `batch`
    counts = jax.ops.segment_sum(jnp.ones((h.shape[0],), dtype=h.dtype), batch, num_segments=G)
    pooled = jax.ops.segment_sum(h, batch, num_segments=G) / jnp.maximum(counts, 1.0)[:, None]
    logits = pooled @ Wfc.T + bfc
    return jax.nn.log_softmax(logits, axis=1)

if __name__ == "__main__":
    import jax
    _d = setup_inputs()
    print(jax.jit(kernel)(*tuple(_d.values())))

</pallas_src>

<mosaic_0001>
#map = affine_map<(d0, d1) -> (0, 0)>
#map1 = affine_map<(d0, d1) -> (0, 0, 0)>
module attributes {stable_mosaic.version = 14 : i64} {
  func.func @body(%arg0: i32, %arg1: i32, %arg2: memref<10000x128xf32, #tpu.memory_space<hbm>>, %arg3: memref<2560x128xi32, #tpu.memory_space<hbm>>, %arg4: memref<2560x128xi32, #tpu.memory_space<hbm>>, %arg5: memref<2x10112x128xf32, #tpu.memory_space<hbm>>, %arg6: memref<10112x128xf32, #tpu.memory_space<vmem_shared>>, %arg7: memref<80x128xi32, #tpu.memory_space<vmem>>, %arg8: memref<80x128xi32, #tpu.memory_space<vmem>>, %arg9: memref<128x128xf32, #tpu.memory_space<vmem>>, %arg10: memref<!tpu.dma_semaphore, #tpu.memory_space<semaphore_mem>>) attributes {dimension_semantics = [#tpu.dimension_semantics<core_parallel>, #tpu.dimension_semantics<subcore_parallel>], iteration_bounds = array<i64: 2, 16>, scalar_prefetch = 0 : i64, scratch_operands = 5 : i64, tpu.core_type = #tpu.core_type<sc_vector_subcore>, window_params = [{transform_indices = #map}, {transform_indices = #map}, {transform_indices = #map}, {transform_indices = #map1}]} {
    %mul3A = arith.constant 2 : i32
    %mul3A_0 = arith.muli %arg1, %mul3A : i32
    %add3A = arith.addi %mul3A_0, %arg0 : i32
    %broadcast_in_dim3A = arith.constant 0.000000e+00 : f32
    %broadcast_in_dim3A_1 = vector.broadcast %broadcast_in_dim3A : f32 to vector<16xf32>
    %scan3A = arith.constant 0 : i32
    %scan3A_2 = arith.constant 0 : i32
    %scan3A_3 = arith.constant 128 : i32
    %scan3A_4 = arith.addi %scan3A_2, %scan3A_3 : i32
    %scan3A_5 = arith.constant 1 : i32
    scf.for %scan3A_28 = %scan3A_2 to %scan3A_4 step %scan3A_5  : i32 {
      %swap3A = arith.index_cast %scan3A_28 : i32 to index
      %swap3A_29 = arith.constant 0 : index
      %swap3A_30 = tpu.vector_load %arg9[%swap3A, %swap3A_29] {strides = array<i32>} : memref<128x128xf32, #tpu.memory_space<vmem>>, vector<1x16xf32>,
      %swap3A_31 = vector.shape_cast %swap3A_30 : vector<1x16xf32> to vector<16xf32>
      %swap3A_32 = vector.shape_cast %broadcast_in_dim3A_1 : vector<16xf32> to vector<1x16xf32>
      tpu.vector_store %arg9[%swap3A, %swap3A_29], %swap3A_32 {strides = array<i32>} : memref<128x128xf32, #tpu.memory_space<vmem>>, vector<1x16xf32>,
      %swap3A_33 = arith.index_cast %scan3A_28 : i32 to index
      %swap3A_34 = arith.constant 16 : index
      %swap3A_35 = tpu.vector_load %arg9[%swap3A_33, %swap3A_34] {strides = array<i32>} : memref<128x128xf32, #tpu.memory_space<vmem>>, vector<1x16xf32>,
      %swap3A_36 = vector.shape_cast %swap3A_35 : vector<1x16xf32> to vector<16xf32>
      %swap3A_37 = vector.shape_cast %broadcast_in_dim3A_1 : vector<16xf32> to vector<1x16xf32>
      tpu.vector_store %arg9[%swap3A_33, %swap3A_34], %swap3A_37 {strides = array<i32>} : memref<128x128xf32, #tpu.memory_space<vmem>>, vector<1x16xf32>,
      %swap3A_38 = arith.index_cast %scan3A_28 : i32 to index
      %swap3A_39 = arith.constant 32 : index
      %swap3A_40 = tpu.vector_load %arg9[%swap3A_38, %swap3A_39] {strides = array<i32>} : memref<128x128xf32, #tpu.memory_space<vmem>>, vector<1x16xf32>,
      %swap3A_41 = vector.shape_cast %swap3A_40 : vector<1x16xf32> to vector<16xf32>
      %swap3A_42 = vector.shape_cast %broadcast_in_dim3A_1 : vector<16xf32> to vector<1x16xf32>
      tpu.vector_store %arg9[%swap3A_38, %swap3A_39], %swap3A_42 {strides = array<i32>} : memref<128x128xf32, #tpu.memory_space<vmem>>, vector<1x16xf32>,
      %swap3A_43 = arith.index_cast %scan3A_28 : i32 to index
      %swap3A_44 = arith.constant 48 : index
      %swap3A_45 = tpu.vector_load %arg9[%swap3A_43, %swap3A_44] {strides = array<i32>} : memref<128x128xf32, #tpu.memory_space<vmem>>, vector<1x16xf32>,
      %swap3A_46 = vector.shape_cast %swap3A_45 : vector<1x16xf32> to vector<16xf32>
      %swap3A_47 = vector.shape_cast %broadcast_in_dim3A_1 : vector<16xf32> to vector<1x16xf32>
      tpu.vector_store %arg9[%swap3A_43, %swap3A_44], %swap3A_47 {strides = array<i32>} : memref<128x128xf32, #tpu.memory_space<vmem>>, vector<1x16xf32>,
      %swap3A_48 = arith.index_cast %scan3A_28 : i32 to index
      %swap3A_49 = arith.constant 64 : index
      %swap3A_50 = tpu.vector_load %arg9[%swap3A_48, %swap3A_49] {strides = array<i32>} : memref<128x128xf32, #tpu.memory_space<vmem>>, vector<1x16xf32>,
      %swap3A_51 = vector.shape_cast %swap3A_50 : vector<1x16xf32> to vector<16xf32>
      %swap3A_52 = vector.shape_cast %broadcast_in_dim3A_1 : vector<16xf32> to vector<1x16xf32>
      tpu.vector_store %arg9[%swap3A_48, %swap3A_49], %swap3A_52 {strides = array<i32>} : memref<128x128xf32, #tpu.memory_space<vmem>>, vector<1x16xf32>,
      %swap3A_53 = arith.index_cast %scan3A_28 : i32 to index
      %swap3A_54 = arith.constant 80 : index
      %swap3A_55 = tpu.vector_load %arg9[%swap3A_53, %swap3A_54] {strides = array<i32>} : memref<128x128xf32, #tpu.memory_space<vmem>>, vector<1x16xf32>,
      %swap3A_56 = vector.shape_cast %swap3A_55 : vector<1x16xf32> to vector<16xf32>
      %swap3A_57 = vector.shape_cast %broadcast_in_dim3A_1 : vector<16xf32> to vector<1x16xf32>
      tpu.vector_store %arg9[%swap3A_53, %swap3A_54], %swap3A_57 {strides = array<i32>} : memref<128x128xf32, #tpu.memory_space<vmem>>, vector<1x16xf32>,
      %swap3A_58 = arith.index_cast %scan3A_28 : i32 to index
      %swap3A_59 = arith.constant 96 : index
      %swap3A_60 = tpu.vector_load %arg9[%swap3A_58, %swap3A_59] {strides = array<i32>} : memref<128x128xf32, #tpu.memory_space<vmem>>, vector<1x16xf32>,
      %swap3A_61 = vector.shape_cast %swap3A_60 : vector<1x16xf32> to vector<16xf32>
      %swap3A_62 = vector.shape_cast %broadcast_in_dim3A_1 : vector<16xf32> to vector<1x16xf32>
      tpu.vector_store %arg9[%swap3A_58, %swap3A_59], %swap3A_62 {strides = array<i32>} : memref<128x128xf32, #tpu.memory_space<vmem>>, vector<1x16xf32>,
      %swap3A_63 = arith.index_cast %scan3A_28 : i32 to index
      %swap3A_64 = arith.constant 112 : index
      %swap3A_65 = tpu.vector_load %arg9[%swap3A_63, %swap3A_64] {strides = array<i32>} : memref<128x128xf32, #tpu.memory_space<vmem>>, vector<1x16xf32>,
      %swap3A_66 = vector.shape_cast %swap3A_65 : vector<1x16xf32> to vector<16xf32>
      %swap3A_67 = vector.shape_cast %broadcast_in_dim3A_1 : vector<16xf32> to vector<1x16xf32>
      tpu.vector_store %arg9[%swap3A_63, %swap3A_64], %swap3A_67 {strides = array<i32>} : memref<128x128xf32, #tpu.memory_space<vmem>>, vector<1x16xf32>,
    }
    %scan3A_6 = arith.constant 128 : i32
    %mul3A_7 = arith.constant 632 : i32
    %mul3A_8 = arith.muli %arg1, %mul3A_7 : i32
    %add3A_9 = arith.constant 0 : i32
    %add3A_10 = arith.addi %mul3A_8, %add3A_9 : i32
    "tpu.region"() ({
      %run_scoped3A = tpu.sem_alloc : memref<!tpu.dma_semaphore, #tpu.memory_space<semaphore_mem>>
      %dma_start3A = arith.constant 0 : i32
      %dma_start3A_28 = tpu.memref_slice %arg6[%add3A_10, %dma_start3A] : memref<10112x128xf32, #tpu.memory_space<vmem_shared>> -> memref<128x128xf32, #tpu.memory_space<vmem_shared>>
      %dma_start3A_29 = arith.constant 0 : i32
      %dma_start3A_30 = tpu.memref_slice %arg6[%add3A_10, %dma_start3A_29] : memref<10112x128xf32, #tpu.memory_space<vmem_shared>> -> memref<128x128xf32, #tpu.memory_space<vmem_shared>>
      tpu.enqueue_dma source(%arg9 : memref<128x128xf32, #tpu.memory_space<vmem>>) target(%dma_start3A_30 : memref<128x128xf32, #tpu.memory_space<vmem_shared>>) target_semaphore(%run_scoped3A : memref<!tpu.dma_semaphore, #tpu.memory_space<semaphore_mem>>)
      %dma_wait3A = arith.constant 0 : i32
      %dma_wait3A_31 = tpu.memref_slice %arg6[%add3A_10, %dma_wait3A] : memref<10112x128xf32, #tpu.memory_space<vmem_shared>> -> memref<128x128xf32, #tpu.memory_space<vmem_shared>>
      %dma_wait3A_32 = arith.constant 0 : i32
      %dma_wait3A_33 = tpu.memref_slice %arg6[%add3A_10, %dma_wait3A_32] : memref<10112x128xf32, #tpu.memory_space<vmem_shared>> -> memref<128x128xf32, #tpu.memory_space<vmem_shared>>
      tpu.wait_dma2 semaphore(%run_scoped3A : memref<!tpu.dma_semaphore, #tpu.memory_space<semaphore_mem>>) src(%arg9 : memref<128x128xf32, #tpu.memory_space<vmem>>) dst(%dma_wait3A_33 : memref<128x128xf32, #tpu.memory_space<vmem_shared>>)
      tpu.yield
    }) : () -> ()
    %add3A_11 = arith.constant 128 : i32
    %add3A_12 = arith.addi %mul3A_8, %add3A_11 : i32
    "tpu.region"() ({
      %run_scoped3A = tpu.sem_alloc : memref<!tpu.dma_semaphore, #tpu.memory_space<semaphore_mem>>
      %dma_start3A = arith.constant 0 : i32
      %dma_start3A_28 = tpu.memref_slice %arg6[%add3A_12, %dma_start3A] : memref<10112x128xf32, #tpu.memory_space<vmem_shared>> -> memref<128x128xf32, #tpu.memory_space<vmem_shared>>
      %dma_start3A_29 = arith.constant 0 : i32
      %dma_start3A_30 = tpu.memref_slice %arg6[%add3A_12, %dma_start3A_29] : memref<10112x128xf32, #tpu.memory_space<vmem_shared>> -> memref<128x128xf32, #tpu.memory_space<vmem_shared>>
      tpu.enqueue_dma source(%arg9 : memref<128x128xf32, #tpu.memory_space<vmem>>) target(%dma_start3A_30 : memref<128x128xf32, #tpu.memory_space<vmem_shared>>) target_semaphore(%run_scoped3A : memref<!tpu.dma_semaphore, #tpu.memory_space<semaphore_mem>>)
      %dma_wait3A = arith.constant 0 : i32
      %dma_wait3A_31 = tpu.memref_slice %arg6[%add3A_12, %dma_wait3A] : memref<10112x128xf32, #tpu.memory_space<vmem_shared>> -> memref<128x128xf32, #tpu.memory_space<vmem_shared>>
      %dma_wait3A_32 = arith.constant 0 : i32
      %dma_wait3A_33 = tpu.memref_slice %arg6[%add3A_12, %dma_wait3A_32] : memref<10112x128xf32, #tpu.memory_space<vmem_shared>> -> memref<128x128xf32, #tpu.memory_space<vmem_shared>>
      tpu.wait_dma2 semaphore(%run_scoped3A : memref<!tpu.dma_semaphore, #tpu.memory_space<semaphore_mem>>) src(%arg9 : memref<128x128xf32, #tpu.memory_space<vmem>>) dst(%dma_wait3A_33 : memref<128x128xf32, #tpu.memory_space<vmem_shared>>)
      tpu.yield
    }) : () -> ()
    %add3A_13 = arith.constant 256 : i32
    %add3A_14 = arith.addi %mul3A_8, %add3A_13 : i32
    "tpu.region"() ({
      %run_scoped3A = tpu.sem_alloc : memref<!tpu.dma_semaphore, #tpu.memory_space<semaphore_mem>>
      %dma_start3A = arith.constant 0 : i32
      %dma_start3A_28 = tpu.memref_slice %arg6[%add3A_14, %dma_start3A] : memref<10112x128xf32, #tpu.memory_space<vmem_shared>> -> memref<128x128xf32, #tpu.memory_space<vmem_shared>>
      %dma_start3A_29 = arith.constant 0 : i32
      %dma_start3A_30 = tpu.memref_slice %arg6[%add3A_14, %dma_start3A_29] : memref<10112x128xf32, #tpu.memory_space<vmem_shared>> -> memref<128x128xf32, #tpu.memory_space<vmem_shared>>
      tpu.enqueue_dma source(%arg9 : memref<128x128xf32, #tpu.memory_space<vmem>>) target(%dma_start3A_30 : memref<128x128xf32, #tpu.memory_space<vmem_shared>>) target_semaphore(%run_scoped3A : memref<!tpu.dma_semaphore, #tpu.memory_space<semaphore_mem>>)
      %dma_wait3A = arith.constant 0 : i32
      %dma_wait3A_31 = tpu.memref_slice %arg6[%add3A_14, %dma_wait3A] : memref<10112x128xf32, #tpu.memory_space<vmem_shared>> -> memref<128x128xf32, #tpu.memory_space<vmem_shared>>
      %dma_wait3A_32 = arith.constant 0 : i32
      %dma_wait3A_33 = tpu.memref_slice %arg6[%add3A_14, %dma_wait3A_32] : memref<10112x128xf32, #tpu.memory_space<vmem_shared>> -> memref<128x128xf32, #tpu.memory_space<vmem_shared>>
      tpu.wait_dma2 semaphore(%run_scoped3A : memref<!tpu.dma_semaphore, #tpu.memory_space<semaphore_mem>>) src(%arg9 : memref<128x128xf32, #tpu.memory_space<vmem>>) dst(%dma_wait3A_33 : memref<128x128xf32, #tpu.memory_space<vmem_shared>>)
      tpu.yield
    }) : () -> ()
    %add3A_15 = arith.constant 384 : i32
    %add3A_16 = arith.addi %mul3A_8, %add3A_15 : i32
    "tpu.region"() ({
      %run_scoped3A = tpu.sem_alloc : memref<!tpu.dma_semaphore, #tpu.memory_space<semaphore_mem>>
      %dma_start3A = arith.constant 0 : i32
      %dma_start3A_28 = tpu.memref_slice %arg6[%add3A_16, %dma_start3A] : memref<10112x128xf32, #tpu.memory_space<vmem_shared>> -> memref<128x128xf32, #tpu.memory_space<vmem_shared>>
      %dma_start3A_29 = arith.constant 0 : i32
      %dma_start3A_30 = tpu.memref_slice %arg6[%add3A_16, %dma_start3A_29] : memref<10112x128xf32, #tpu.memory_space<vmem_shared>> -> memref<128x128xf32, #tpu.memory_space<vmem_shared>>
      tpu.enqueue_dma source(%arg9 : memref<128x128xf32, #tpu.memory_space<vmem>>) target(%dma_start3A_30 : memref<128x128xf32, #tpu.memory_space<vmem_shared>>) target_semaphore(%run_scoped3A : memref<!tpu.dma_semaphore, #tpu.memory_space<semaphore_mem>>)
      %dma_wait3A = arith.constant 0 : i32
      %dma_wait3A_31 = tpu.memref_slice %arg6[%add3A_16, %dma_wait3A] : memref<10112x128xf32, #tpu.memory_space<vmem_shared>> -> memref<128x128xf32, #tpu.memory_space<vmem_shared>>
      %dma_wait3A_32 = arith.constant 0 : i32
      %dma_wait3A_33 = tpu.memref_slice %arg6[%add3A_16, %dma_wait3A_32] : memref<10112x128xf32, #tpu.memory_space<vmem_shared>> -> memref<128x128xf32, #tpu.memory_space<vmem_shared>>
      tpu.wait_dma2 semaphore(%run_scoped3A : memref<!tpu.dma_semaphore, #tpu.memory_space<semaphore_mem>>) src(%arg9 : memref<128x128xf32, #tpu.memory_space<vmem>>) dst(%dma_wait3A_33 : memref<128x128xf32, #tpu.memory_space<vmem_shared>>)
      tpu.yield
    }) : () -> ()
    %add3A_17 = arith.constant 512 : i32
    %add3A_18 = arith.addi %mul3A_8, %add3A_17 : i32
    "tpu.region"() ({
      %run_scoped3A = tpu.sem_alloc : memref<!tpu.dma_semaphore, #tpu.memory_space<semaphore_mem>>
      %dma_start3A = arith.constant 0 : i32
      %dma_start3A_28 = arith.constant 0 : i32
      %dma_start3A_29 = tpu.memref_slice %arg9[%dma_start3A, %dma_start3A_28] : memref<128x128xf32, #tpu.memory_space<vmem>> -> memref<120x128xf32, #tpu.memory_space<vmem>>
      %dma_start3A_30 = arith.constant 0 : i32
      %dma_start3A_31 = tpu.memref_slice %arg6[%add3A_18, %dma_start3A_30] : memref<10112x128xf32, #tpu.memory_space<vmem_shared>> -> memref<120x128xf32, #tpu.memory_space<vmem_shared>>
      %dma_start3A_32 = arith.constant 0 : i32
      %dma_start3A_33 = tpu.memref_slice %arg6[%add3A_18, %dma_start3A_32] : memref<10112x128xf32, #tpu.memory_space<vmem_shared>> -> memref<120x128xf32, #tpu.memory_space<vmem_shared>>
      %dma_start3A_34 = arith.constant 0 : i32
      %dma_start3A_35 = arith.constant 0 : i32
      %dma_start3A_36 = tpu.memref_slice %arg9[%dma_start3A_34, %dma_start3A_35] : memref<128x128xf32, #tpu.memory_space<vmem>> -> memref<120x128xf32, #tpu.memory_space<vmem>>
      tpu.enqueue_dma source(%dma_start3A_36 : memref<120x128xf32, #tpu.memory_space<vmem>>) target(%dma_start3A_33 : memref<120x128xf32, #tpu.memory_space<vmem_shared>>) target_semaphore(%run_scoped3A : memref<!tpu.dma_semaphore, #tpu.memory_space<semaphore_mem>>)
      %dma_wait3A = arith.constant 0 : i32
      %dma_wait3A_37 = arith.constant 0 : i32
      %dma_wait3A_38 = tpu.memref_slice %arg9[%dma_wait3A, %dma_wait3A_37] : memref<128x128xf32, #tpu.memory_space<vmem>> -> memref<120x128xf32, #tpu.memory_space<vmem>>
      %dma_wait3A_39 = arith.constant 0 : i32
      %dma_wait3A_40 = tpu.memref_slice %arg6[%add3A_18, %dma_wait3A_39] : memref<10112x128xf32, #tpu.memory_space<vmem_shared>> -> memref<120x128xf32, #tpu.memory_space<vmem_shared>>
      %dma_wait3A_41 = arith.constant 0 : i32
      %dma_wait3A_42 = tpu.memref_slice %arg6[%add3A_18, %dma_wait3A_41] : memref<10112x128xf32, #tpu.memory_space<vmem_shared>> -> memref<120x128xf32, #tpu.memory_space<vmem_shared>>
      %dma_wait3A_43 = arith.constant 0 : i32
      %dma_wait3A_44 = arith.constant 0 : i32
      %dma_wait3A_45 = tpu.memref_slice %arg9[%dma_wait3A_43, %dma_wait3A_44] : memref<128x128xf32, #tpu.memory_space<vmem>> -> memref<120x128xf32, #tpu.memory_space<vmem>>
      tpu.wait_dma2 semaphore(%run_scoped3A : memref<!tpu.dma_semaphore, #tpu.memory_space<semaphore_mem>>) src(%dma_wait3A_45 : memref<120x128xf32, #tpu.memory_space<vmem>>) dst(%dma_wait3A_42 : memref<120x128xf32, #tpu.memory_space<vmem_shared>>)
      tpu.yield
    }) : () -> ()
    %mul3A_19 = arith.constant 80 : i32
    %mul3A_20 = arith.muli %add3A, %mul3A_19 : i32
    "tpu.region"() ({
      %run_scoped3A = tpu.sem_alloc : memref<!tpu.dma_semaphore, #tpu.memory_space<semaphore_mem>>
      %dma_start3A = arith.constant 0 : i32
      %dma_start3A_28 = tpu.memref_slice %arg3[%mul3A_20, %dma_start3A] : memref<2560x128xi32, #tpu.memory_space<hbm>> -> memref<80x128xi32, #tpu.memory_space<hbm>>
      %dma_start3A_29 = arith.constant 0 : i32
      %dma_start3A_30 = tpu.memref_slice %arg3[%mul3A_20, %dma_start3A_29] : memref<2560x128xi32, #tpu.memory_space<hbm>> -> memref<80x128xi32, #tpu.memory_space<hbm>>
      tpu.enqueue_dma source(%dma_start3A_30 : memref<80x128xi32, #tpu.memory_space<hbm>>) target(%arg7 : memref<80x128xi32, #tpu.memory_space<vmem>>) target_semaphore(%run_scoped3A : memref<!tpu.dma_semaphore, #tpu.memory_space<semaphore_mem>>)
      %dma_wait3A = arith.constant 0 : i32
      %dma_wait3A_31 = tpu.memref_slice %arg3[%mul3A_20, %dma_wait3A] : memref<2560x128xi32, #tpu.memory_space<hbm>> -> memref<80x128xi32, #tpu.memory_space<hbm>>
      %dma_wait3A_32 = arith.constant 0 : i32
      %dma_wait3A_33 = tpu.memref_slice %arg3[%mul3A_20, %dma_wait3A_32] : memref<2560x128xi32, #tpu.memory_space<hbm>> -> memref<80x128xi32, #tpu.memory_space<hbm>>
      tpu.wait_dma2 semaphore(%run_scoped3A : memref<!tpu.dma_semaphore, #tpu.memory_space<semaphore_mem>>) src(%dma_wait3A_33 : memref<80x128xi32, #tpu.memory_space<hbm>>) dst(%arg7 : memref<80x128xi32, #tpu.memory_space<vmem>>)
      tpu.yield
    }) : () -> ()
    "tpu.region"() ({
      %run_scoped3A = tpu.sem_alloc : memref<!tpu.dma_semaphore, #tpu.memory_space<semaphore_mem>>
      %dma_start3A = arith.constant 0 : i32
      %dma_start3A_28 = tpu.memref_slice %arg4[%mul3A_20, %dma_start3A] : memref<2560x128xi32, #tpu.memory_space<hbm>> -> memref<80x128xi32, #tpu.memory_space<hbm>>
      %dma_start3A_29 = arith.constant 0 : i32
      %dma_start3A_30 = tpu.memref_slice %arg4[%mul3A_20, %dma_start3A_29] : memref<2560x128xi32, #tpu.memory_space<hbm>> -> memref<80x128xi32, #tpu.memory_space<hbm>>
      tpu.enqueue_dma source(%dma_start3A_30 : memref<80x128xi32, #tpu.memory_space<hbm>>) target(%arg8 : memref<80x128xi32, #tpu.memory_space<vmem>>) target_semaphore(%run_scoped3A : memref<!tpu.dma_semaphore, #tpu.memory_space<semaphore_mem>>)
      %dma_wait3A = arith.constant 0 : i32
      %dma_wait3A_31 = tpu.memref_slice %arg4[%mul3A_20, %dma_wait3A] : memref<2560x128xi32, #tpu.memory_space<hbm>> -> memref<80x128xi32, #tpu.memory_space<hbm>>
      %dma_wait3A_32 = arith.constant 0 : i32
      %dma_wait3A_33 = tpu.memref_slice %arg4[%mul3A_20, %dma_wait3A_32] : memref<2560x128xi32, #tpu.memory_space<hbm>> -> memref<80x128xi32, #tpu.memory_space<hbm>>
      tpu.wait_dma2 semaphore(%run_scoped3A : memref<!tpu.dma_semaphore, #tpu.memory_space<semaphore_mem>>) src(%dma_wait3A_33 : memref<80x128xi32, #tpu.memory_space<hbm>>) dst(%arg8 : memref<80x128xi32, #tpu.memory_space<vmem>>)
      tpu.yield
    }) : () -> ()
    %barrier3A = arith.constant 0 : index
    tpu.barrier barrier_id(%barrier3A)
    %scan3A_21 = arith.constant 0 : i32
    %scan3A_22 = arith.constant 0 : i32
    %scan3A_23 = arith.constant 80 : i32
    %scan3A_24 = arith.addi %scan3A_22, %scan3A_23 : i32
    %scan3A_25 = arith.constant 1 : i32
    scf.for %scan3A_28 = %scan3A_22 to %scan3A_24 step %scan3A_25  : i32 {
      %dma_start3A = arith.constant 0 : i32
      %dma_start3A_29 = tpu.memref_slice %arg7[%scan3A_28, %dma_start3A] : memref<80x128xi32, #tpu.memory_space<vmem>> -> memref<1x128xi32, #tpu.memory_space<vmem>>
      %dma_start3A_30 = tpu.memref_squeeze %dma_start3A_29 : memref<1x128xi32, #tpu.memory_space<vmem>> -> memref<128xi32, #tpu.memory_space<vmem>>
      %dma_start3A_31 = arith.constant 0 : i32
      %dma_start3A_32 = arith.constant 0 : i32
      %dma_start3A_33 = tpu.memref_slice %arg2[%dma_start3A_31, %dma_start3A_32] : memref<10000x128xf32, #tpu.memory_space<hbm>> -> memref<10000x128xf32, #tpu.memory_space<hbm>>
      tpu.enqueue_indirect_dma source(%dma_start3A_33 : memref<10000x128xf32, #tpu.memory_space<hbm>>) target(%arg9 : memref<128x128xf32, #tpu.memory_space<vmem>>) offsets(%dma_start3A_30 : memref<128xi32, #tpu.memory_space<vmem>>) semaphore(%arg10 : memref<!tpu.dma_semaphore, #tpu.memory_space<semaphore_mem>>)
      %dma_wait3A = arith.constant 0 : i32
      %dma_wait3A_34 = tpu.memref_slice %arg7[%scan3A_28, %dma_wait3A] : memref<80x128xi32, #tpu.memory_space<vmem>> -> memref<1x128xi32, #tpu.memory_space<vmem>>
      %dma_wait3A_35 = tpu.memref_squeeze %dma_wait3A_34 : memref<1x128xi32, #tpu.memory_space<vmem>> -> memref<128xi32, #tpu.memory_space<vmem>>
      %dma_wait3A_36 = arith.constant 0 : i32
      %dma_wait3A_37 = arith.constant 0 : i32
      %dma_wait3A_38 = tpu.memref_slice %arg2[%dma_wait3A_36, %dma_wait3A_37] : memref<10000x128xf32, #tpu.memory_space<hbm>> -> memref<10000x128xf32, #tpu.memory_space<hbm>>
      tpu.wait_indirect_dma semaphore(%arg10 : memref<!tpu.dma_semaphore, #tpu.memory_space<semaphore_mem>>) src(%dma_wait3A_38 : memref<10000x128xf32, #tpu.memory_space<hbm>>) dst(%arg9 : memref<128x128xf32, #tpu.memory_space<vmem>>)
      "tpu.region"() ({
        %run_scoped3A = tpu.sem_alloc : memref<!tpu.dma_semaphore, #tpu.memory_space<semaphore_mem>>
        %dma_start3A_39 = arith.constant 0 : i32
        %dma_start3A_40 = tpu.memref_slice %arg8[%scan3A_28, %dma_start3A_39] : memref<80x128xi32, #tpu.memory_space<vmem>> -> memref<1x128xi32, #tpu.memory_space<vmem>>
        %dma_start3A_41 = tpu.memref_squeeze %dma_start3A_40 : memref<1x128xi32, #tpu.memory_space<vmem>> -> memref<128xi32, #tpu.memory_space<vmem>>
        %dma_start3A_42 = arith.constant 0 : i32
        %dma_start3A_43 = arith.constant 0 : i32
        %dma_start3A_44 = tpu.memref_slice %arg6[%dma_start3A_42, %dma_start3A_43] : memref<10112x128xf32, #tpu.memory_space<vmem_shared>> -> memref<10112x128xf32, #tpu.memory_space<vmem_shared>>
        tpu.enqueue_indirect_dma source(%arg9 : memref<128x128xf32, #tpu.memory_space<vmem>>) target(%dma_start3A_44 : memref<10112x128xf32, #tpu.memory_space<vmem_shared>>) offsets(%dma_start3A_41 : memref<128xi32, #tpu.memory_space<vmem>>) semaphore(%run_scoped3A : memref<!tpu.dma_semaphore, #tpu.memory_space<semaphore_mem>>) {add = true}
        %dma_wait3A_45 = arith.constant 0 : i32
        %dma_wait3A_46 = tpu.memref_slice %arg8[%scan3A_28, %dma_wait3A_45] : memref<80x128xi32, #tpu.memory_space<vmem>> -> memref<1x128xi32, #tpu.memory_space<vmem>>
        %dma_wait3A_47 = tpu.memref_squeeze %dma_wait3A_46 : memref<1x128xi32, #tpu.memory_space<vmem>> -> memref<128xi32, #tpu.memory_space<vmem>>
        %dma_wait3A_48 = arith.constant 0 : i32
        %dma_wait3A_49 = arith.constant 0 : i32
        %dma_wait3A_50 = tpu.memref_slice %arg6[%dma_wait3A_48, %dma_wait3A_49] : memref<10112x128xf32, #tpu.memory_space<vmem_shared>> -> memref<10112x128xf32, #tpu.memory_space<vmem_shared>>
        tpu.wait_indirect_dma semaphore(%run_scoped3A : memref<!tpu.dma_semaphore, #tpu.memory_space<semaphore_mem>>) src(%arg9 : memref<128x128xf32, #tpu.memory_space<vmem>>) dst(%dma_wait3A_50 : memref<10112x128xf32, #tpu.memory_space<vmem_shared>>)
        tpu.yield
      }) : () -> ()
    }
    %scan3A_26 = arith.constant 80 : i32
    %barrier3A_27 = arith.constant 0 : index
    tpu.barrier barrier_id(%barrier3A_27)
    "tpu.region"() ({
      %run_scoped3A = tpu.sem_alloc : memref<!tpu.dma_semaphore, #tpu.memory_space<semaphore_mem>>
      %dma_start3A = arith.constant 0 : i32
      %dma_start3A_28 = tpu.memref_slice %arg5[%arg0, %mul3A_8, %dma_start3A] : memref<2x10112x128xf32, #tpu.memory_space<hbm>> -> memref<1x632x128xf32, #tpu.memory_space<hbm>>
      %dma_start3A_29 = tpu.memref_squeeze %dma_start3A_28 : memref<1x632x128xf32, #tpu.memory_space<hbm>> -> memref<632x128xf32, #tpu.memory_space<hbm>>
      %dma_start3A_30 = arith.constant 0 : i32
      %dma_start3A_31 = tpu.memref_slice %arg6[%mul3A_8, %dma_start3A_30] : memref<10112x128xf32, #tpu.memory_space<vmem_shared>> -> memref<632x128xf32, #tpu.memory_space<vmem_shared>>
      tpu.enqueue_dma source(%dma_start3A_31 : memref<632x128xf32, #tpu.memory_space<vmem_shared>>) target(%dma_start3A_29 : memref<632x128xf32, #tpu.memory_space<hbm>>) target_semaphore(%run_scoped3A : memref<!tpu.dma_semaphore, #tpu.memory_space<semaphore_mem>>)
      %dma_wait3A = arith.constant 0 : i32
      %dma_wait3A_32 = tpu.memref_slice %arg5[%arg0, %mul3A_8, %dma_wait3A] : memref<2x10112x128xf32, #tpu.memory_space<hbm>> -> memref<1x632x128xf32, #tpu.memory_space<hbm>>
      %dma_wait3A_33 = tpu.memref_squeeze %dma_wait3A_32 : memref<1x632x128xf32, #tpu.memory_space<hbm>> -> memref<632x128xf32, #tpu.memory_space<hbm>>
      %dma_wait3A_34 = arith.constant 0 : i32
      %dma_wait3A_35 = tpu.memref_slice %arg6[%mul3A_8, %dma_wait3A_34] : memref<10112x128xf32, #tpu.memory_space<vmem_shared>> -> memref<632x128xf32, #tpu.memory_space<vmem_shared>>
      tpu.wait_dma2 semaphore(%run_scoped3A : memref<!tpu.dma_semaphore, #tpu.memory_space<semaphore_mem>>) src(%dma_wait3A_35 : memref<632x128xf32, #tpu.memory_space<vmem_shared>>) dst(%dma_wait3A_33 : memref<632x128xf32, #tpu.memory_space<hbm>>)
      tpu.yield
    }) : () -> ()
    return
  }
}

#map = affine_map<(d0, d1) -> (0, 0)>
#map1 = affine_map<(d0, d1) -> (0, 0, 0)>
module attributes {stable_mosaic.version = 14 : i64} {
  func.func @body(%arg0: i32, %arg1: i32, %arg2: memref<10000x128xf32, #tpu.memory_space<hbm>>, %arg3: memref<2560x128xi32, #tpu.memory_space<hbm>>, %arg4: memref<2560x128xi32, #tpu.memory_space<hbm>>, %arg5: memref<2x10112x128xf32, #tpu.memory_space<hbm>>, %arg6: memref<10112x128xf32, #tpu.memory_space<vmem_shared>>, %arg7: memref<80x128xi32, #tpu.memory_space<vmem>>, %arg8: memref<80x128xi32, #tpu.memory_space<vmem>>, %arg9: memref<128x128xf32, #tpu.memory_space<vmem>>, %arg10: memref<!tpu.dma_semaphore, #tpu.memory_space<semaphore_mem>>) attributes {dimension_semantics = [#tpu.dimension_semantics<core_parallel>, #tpu.dimension_semantics<subcore_parallel>], iteration_bounds = array<i64: 2, 16>, scalar_prefetch = 0 : i64, scratch_operands = 5 : i64, tpu.core_type = #tpu.core_type<sc_vector_subcore>, window_params = [{transform_indices = #map}, {transform_indices = #map}, {transform_indices = #map}, {transform_indices = #map1}]} {
    %mul3A = arith.constant 2 : i32
    %mul3A_0 = arith.muli %arg1, %mul3A : i32
    %add3A = arith.addi %mul3A_0, %arg0 : i32
    %broadcast_in_dim3A = arith.constant 0.000000e+00 : f32
    %broadcast_in_dim3A_1 = vector.broadcast %broadcast_in_dim3A : f32 to vector<16xf32>
    %scan3A = arith.constant 0 : i32
    %scan3A_2 = arith.constant 0 : i32
    %scan3A_3 = arith.constant 128 : i32
    %scan3A_4 = arith.addi %scan3A_2, %scan3A_3 : i32
    %scan3A_5 = arith.constant 1 : i32
    scf.for %scan3A_28 = %scan3A_2 to %scan3A_4 step %scan3A_5  : i32 {
      %swap3A = arith.index_cast %scan3A_28 : i32 to index
      %swap3A_29 = arith.constant 0 : index
      %swap3A_30 = tpu.vector_load %arg9[%swap3A, %swap3A_29] {strides = array<i32>} : memref<128x128xf32, #tpu.memory_space<vmem>>, vector<1x16xf32>,
      %swap3A_31 = vector.shape_cast %swap3A_30 : vector<1x16xf32> to vector<16xf32>
      %swap3A_32 = vector.shape_cast %broadcast_in_dim3A_1 : vector<16xf32> to vector<1x16xf32>
      tpu.vector_store %arg9[%swap3A, %swap3A_29], %swap3A_32 {strides = array<i32>} : memref<128x128xf32, #tpu.memory_space<vmem>>, vector<1x16xf32>,
      %swap3A_33 = arith.index_cast %scan3A_28 : i32 to index
      %swap3A_34 = arith.constant 16 : index
      %swap3A_35 = tpu.vector_load %arg9[%swap3A_33, %swap3A_34] {strides = array<i32>} : memref<128x128xf32, #tpu.memory_space<vmem>>, vector<1x16xf32>,
      %swap3A_36 = vector.shape_cast %swap3A_35 : vector<1x16xf32> to vector<16xf32>
      %swap3A_37 = vector.shape_cast %broadcast_in_dim3A_1 : vector<16xf32> to vector<1x16xf32>
      tpu.vector_store %arg9[%swap3A_33, %swap3A_34], %swap3A_37 {strides = array<i32>} : memref<128x128xf32, #tpu.memory_space<vmem>>, vector<1x16xf32>,
      %swap3A_38 = arith.index_cast %scan3A_28 : i32 to index
      %swap3A_39 = arith.constant 32 : index
      %swap3A_40 = tpu.vector_load %arg9[%swap3A_38, %swap3A_39] {strides = array<i32>} : memref<128x128xf32, #tpu.memory_space<vmem>>, vector<1x16xf32>,
      %swap3A_41 = vector.shape_cast %swap3A_40 : vector<1x16xf32> to vector<16xf32>
      %swap3A_42 = vector.shape_cast %broadcast_in_dim3A_1 : vector<16xf32> to vector<1x16xf32>
      tpu.vector_store %arg9[%swap3A_38, %swap3A_39], %swap3A_42 {strides = array<i32>} : memref<128x128xf32, #tpu.memory_space<vmem>>, vector<1x16xf32>,
      %swap3A_43 = arith.index_cast %scan3A_28 : i32 to index
      %swap3A_44 = arith.constant 48 : index
      %swap3A_45 = tpu.vector_load %arg9[%swap3A_43, %swap3A_44] {strides = array<i32>} : memref<128x128xf32, #tpu.memory_space<vmem>>, vector<1x16xf32>,
      %swap3A_46 = vector.shape_cast %swap3A_45 : vector<1x16xf32> to vector<16xf32>
      %swap3A_47 = vector.shape_cast %broadcast_in_dim3A_1 : vector<16xf32> to vector<1x16xf32>
      tpu.vector_store %arg9[%swap3A_43, %swap3A_44], %swap3A_47 {strides = array<i32>} : memref<128x128xf32, #tpu.memory_space<vmem>>, vector<1x16xf32>,
      %swap3A_48 = arith.index_cast %scan3A_28 : i32 to index
      %swap3A_49 = arith.constant 64 : index
      %swap3A_50 = tpu.vector_load %arg9[%swap3A_48, %swap3A_49] {strides = array<i32>} : memref<128x128xf32, #tpu.memory_space<vmem>>, vector<1x16xf32>,
      %swap3A_51 = vector.shape_cast %swap3A_50 : vector<1x16xf32> to vector<16xf32>
      %swap3A_52 = vector.shape_cast %broadcast_in_dim3A_1 : vector<16xf32> to vector<1x16xf32>
      tpu.vector_store %arg9[%swap3A_48, %swap3A_49], %swap3A_52 {strides = array<i32>} : memref<128x128xf32, #tpu.memory_space<vmem>>, vector<1x16xf32>,
      %swap3A_53 = arith.index_cast %scan3A_28 : i32 to index
      %swap3A_54 = arith.constant 80 : index
      %swap3A_55 = tpu.vector_load %arg9[%swap3A_53, %swap3A_54] {strides = array<i32>} : memref<128x128xf32, #tpu.memory_space<vmem>>, vector<1x16xf32>,
      %swap3A_56 = vector.shape_cast %swap3A_55 : vector<1x16xf32> to vector<16xf32>
      %swap3A_57 = vector.shape_cast %broadcast_in_dim3A_1 : vector<16xf32> to vector<1x16xf32>
      tpu.vector_store %arg9[%swap3A_53, %swap3A_54], %swap3A_57 {strides = array<i32>} : memref<128x128xf32, #tpu.memory_space<vmem>>, vector<1x16xf32>,
      %swap3A_58 = arith.index_cast %scan3A_28 : i32 to index
      %swap3A_59 = arith.constant 96 : index
      %swap3A_60 = tpu.vector_load %arg9[%swap3A_58, %swap3A_59] {strides = array<i32>} : memref<128x128xf32, #tpu.memory_space<vmem>>, vector<1x16xf32>,
      %swap3A_61 = vector.shape_cast %swap3A_60 : vector<1x16xf32> to vector<16xf32>
      %swap3A_62 = vector.shape_cast %broadcast_in_dim3A_1 : vector<16xf32> to vector<1x16xf32>
      tpu.vector_store %arg9[%swap3A_58, %swap3A_59], %swap3A_62 {strides = array<i32>} : memref<128x128xf32, #tpu.memory_space<vmem>>, vector<1x16xf32>,
      %swap3A_63 = arith.index_cast %scan3A_28 : i32 to index
      %swap3A_64 = arith.constant 112 : index
      %swap3A_65 = tpu.vector_load %arg9[%swap3A_63, %swap3A_64] {strides = array<i32>} : memref<128x128xf32, #tpu.memory_space<vmem>>, vector<1x16xf32>,
      %swap3A_66 = vector.shape_cast %swap3A_65 : vector<1x16xf32> to vector<16xf32>
      %swap3A_67 = vector.shape_cast %broadcast_in_dim3A_1 : vector<16xf32> to vector<1x16xf32>
      tpu.vector_store %arg9[%swap3A_63, %swap3A_64], %swap3A_67 {strides = array<i32>} : memref<128x128xf32, #tpu.memory_space<vmem>>, vector<1x16xf32>,
    }
    %scan3A_6 = arith.constant 128 : i32
    %mul3A_7 = arith.constant 632 : i32
    %mul3A_8 = arith.muli %arg1, %mul3A_7 : i32
    %add3A_9 = arith.constant 0 : i32
    %add3A_10 = arith.addi %mul3A_8, %add3A_9 : i32
    "tpu.region"() ({
      %run_scoped3A = tpu.sem_alloc : memref<!tpu.dma_semaphore, #tpu.memory_space<semaphore_mem>>
      %dma_start3A = arith.constant 0 : i32
      %dma_start3A_28 = tpu.memref_slice %arg6[%add3A_10, %dma_start3A] : memref<10112x128xf32, #tpu.memory_space<vmem_shared>> -> memref<128x128xf32, #tpu.memory_space<vmem_shared>>
      %dma_start3A_29 = arith.constant 0 : i32
      %dma_start3A_30 = tpu.memref_slice %arg6[%add3A_10, %dma_start3A_29] : memref<10112x128xf32, #tpu.memory_space<vmem_shared>> -> memref<128x128xf32, #tpu.memory_space<vmem_shared>>
      tpu.enqueue_dma source(%arg9 : memref<128x128xf32, #tpu.memory_space<vmem>>) target(%dma_start3A_30 : memref<128x128xf32, #tpu.memory_space<vmem_shared>>) target_semaphore(%run_scoped3A : memref<!tpu.dma_semaphore, #tpu.memory_space<semaphore_mem>>)
      %dma_wait3A = arith.constant 0 : i32
      %dma_wait3A_31 = tpu.memref_slice %arg6[%add3A_10, %dma_wait3A] : memref<10112x128xf32, #tpu.memory_space<vmem_shared>> -> memref<128x128xf32, #tpu.memory_space<vmem_shared>>
      %dma_wait3A_32 = arith.constant 0 : i32
      %dma_wait3A_33 = tpu.memref_slice %arg6[%add3A_10, %dma_wait3A_32] : memref<10112x128xf32, #tpu.memory_space<vmem_shared>> -> memref<128x128xf32, #tpu.memory_space<vmem_shared>>
      tpu.wait_dma2 semaphore(%run_scoped3A : memref<!tpu.dma_semaphore, #tpu.memory_space<semaphore_mem>>) src(%arg9 : memref<128x128xf32, #tpu.memory_space<vmem>>) dst(%dma_wait3A_33 : memref<128x128xf32, #tpu.memory_space<vmem_shared>>)
      tpu.yield
    }) : () -> ()
    %add3A_11 = arith.constant 128 : i32
    %add3A_12 = arith.addi %mul3A_8, %add3A_11 : i32
    "tpu.region"() ({
      %run_scoped3A = tpu.sem_alloc : memref<!tpu.dma_semaphore, #tpu.memory_space<semaphore_mem>>
      %dma_start3A = arith.constant 0 : i32
      %dma_start3A_28 = tpu.memref_slice %arg6[%add3A_12, %dma_start3A] : memref<10112x128xf32, #tpu.memory_space<vmem_shared>> -> memref<128x128xf32, #tpu.memory_space<vmem_shared>>
      %dma_start3A_29 = arith.constant 0 : i32
      %dma_start3A_30 = tpu.memref_slice %arg6[%add3A_12, %dma_start3A_29] : memref<10112x128xf32, #tpu.memory_space<vmem_shared>> -> memref<128x128xf32, #tpu.memory_space<vmem_shared>>
      tpu.enqueue_dma source(%arg9 : memref<128x128xf32, #tpu.memory_space<vmem>>) target(%dma_start3A_30 : memref<128x128xf32, #tpu.memory_space<vmem_shared>>) target_semaphore(%run_scoped3A : memref<!tpu.dma_semaphore, #tpu.memory_space<semaphore_mem>>)
      %dma_wait3A = arith.constant 0 : i32
      %dma_wait3A_31 = tpu.memref_slice %arg6[%add3A_12, %dma_wait3A] : memref<10112x128xf32, #tpu.memory_space<vmem_shared>> -> memref<128x128xf32, #tpu.memory_space<vmem_shared>>
      %dma_wait3A_32 = arith.constant 0 : i32
      %dma_wait3A_33 = tpu.memref_slice %arg6[%add3A_12, %dma_wait3A_32] : memref<10112x128xf32, #tpu.memory_space<vmem_shared>> -> memref<128x128xf32, #tpu.memory_space<vmem_shared>>
      tpu.wait_dma2 semaphore(%run_scoped3A : memref<!tpu.dma_semaphore, #tpu.memory_space<semaphore_mem>>) src(%arg9 : memref<128x128xf32, #tpu.memory_space<vmem>>) dst(%dma_wait3A_33 : memref<128x128xf32, #tpu.memory_space<vmem_shared>>)
      tpu.yield
    }) : () -> ()
    %add3A_13 = arith.constant 256 : i32
    %add3A_14 = arith.addi %mul3A_8, %add3A_13 : i32
    "tpu.region"() ({
      %run_scoped3A = tpu.sem_alloc : memref<!tpu.dma_semaphore, #tpu.memory_space<semaphore_mem>>
      %dma_start3A = arith.constant 0 : i32
      %dma_start3A_28 = tpu.memref_slice %arg6[%add3A_14, %dma_start3A] : memref<10112x128xf32, #tpu.memory_space<vmem_shared>> -> memref<128x128xf32, #tpu.memory_space<vmem_shared>>
      %dma_start3A_29 = arith.constant 0 : i32
      %dma_start3A_30 = tpu.memref_slice %arg6[%add3A_14, %dma_start3A_29] : memref<10112x128xf32, #tpu.memory_space<vmem_shared>> -> memref<128x128xf32, #tpu.memory_space<vmem_shared>>
      tpu.enqueue_dma source(%arg9 : memref<128x128xf32, #tpu.memory_space<vmem>>) target(%dma_start3A_30 : memref<128x128xf32, #tpu.memory_space<vmem_shared>>) target_semaphore(%run_scoped3A : memref<!tpu.dma_semaphore, #tpu.memory_space<semaphore_mem>>)
      %dma_wait3A = arith.constant 0 : i32
      %dma_wait3A_31 = tpu.memref_slice %arg6[%add3A_14, %dma_wait3A] : memref<10112x128xf32, #tpu.memory_space<vmem_shared>> -> memref<128x128xf32, #tpu.memory_space<vmem_shared>>
      %dma_wait3A_32 = arith.constant 0 : i32
      %dma_wait3A_33 = tpu.memref_slice %arg6[%add3A_14, %dma_wait3A_32] : memref<10112x128xf32, #tpu.memory_space<vmem_shared>> -> memref<128x128xf32, #tpu.memory_space<vmem_shared>>
      tpu.wait_dma2 semaphore(%run_scoped3A : memref<!tpu.dma_semaphore, #tpu.memory_space<semaphore_mem>>) src(%arg9 : memref<128x128xf32, #tpu.memory_space<vmem>>) dst(%dma_wait3A_33 : memref<128x128xf32, #tpu.memory_space<vmem_shared>>)
      tpu.yield
    }) : () -> ()
    %add3A_15 = arith.constant 384 : i32
    %add3A_16 = arith.addi %mul3A_8, %add3A_15 : i32
    "tpu.region"() ({
      %run_scoped3A = tpu.sem_alloc : memref<!tpu.dma_semaphore, #tpu.memory_space<semaphore_mem>>
      %dma_start3A = arith.constant 0 : i32
      %dma_start3A_28 = tpu.memref_slice %arg6[%add3A_16, %dma_start3A] : memref<10112x128xf32, #tpu.memory_space<vmem_shared>> -> memref<128x128xf32, #tpu.memory_space<vmem_shared>>
      %dma_start3A_29 = arith.constant 0 : i32
      %dma_start3A_30 = tpu.memref_slice %arg6[%add3A_16, %dma_start3A_29] : memref<10112x128xf32, #tpu.memory_space<vmem_shared>> -> memref<128x128xf32, #tpu.memory_space<vmem_shared>>
      tpu.enqueue_dma source(%arg9 : memref<128x128xf32, #tpu.memory_space<vmem>>) target(%dma_start3A_30 : memref<128x128xf32, #tpu.memory_space<vmem_shared>>) target_semaphore(%run_scoped3A : memref<!tpu.dma_semaphore, #tpu.memory_space<semaphore_mem>>)
      %dma_wait3A = arith.constant 0 : i32
      %dma_wait3A_31 = tpu.memref_slice %arg6[%add3A_16, %dma_wait3A] : memref<10112x128xf32, #tpu.memory_space<vmem_shared>> -> memref<128x128xf32, #tpu.memory_space<vmem_shared>>
      %dma_wait3A_32 = arith.constant 0 : i32
      %dma_wait3A_33 = tpu.memref_slice %arg6[%add3A_16, %dma_wait3A_32] : memref<10112x128xf32, #tpu.memory_space<vmem_shared>> -> memref<128x128xf32, #tpu.memory_space<vmem_shared>>
      tpu.wait_dma2 semaphore(%run_scoped3A : memref<!tpu.dma_semaphore, #tpu.memory_space<semaphore_mem>>) src(%arg9 : memref<128x128xf32, #tpu.memory_space<vmem>>) dst(%dma_wait3A_33 : memref<128x128xf32, #tpu.memory_space<vmem_shared>>)
      tpu.yield
    }) : () -> ()
    %add3A_17 = arith.constant 512 : i32
    %add3A_18 = arith.addi %mul3A_8, %add3A_17 : i32
    "tpu.region"() ({
      %run_scoped3A = tpu.sem_alloc : memref<!tpu.dma_semaphore, #tpu.memory_space<semaphore_mem>>
      %dma_start3A = arith.constant 0 : i32
      %dma_start3A_28 = arith.constant 0 : i32
      %dma_start3A_29 = tpu.memref_slice %arg9[%dma_start3A, %dma_start3A_28] : memref<128x128xf32, #tpu.memory_space<vmem>> -> memref<120x128xf32, #tpu.memory_space<vmem>>
      %dma_start3A_30 = arith.constant 0 : i32
      %dma_start3A_31 = tpu.memref_slice %arg6[%add3A_18, %dma_start3A_30] : memref<10112x128xf32, #tpu.memory_space<vmem_shared>> -> memref<120x128xf32, #tpu.memory_space<vmem_shared>>
      %dma_start3A_32 = arith.constant 0 : i32
      %dma_start3A_33 = tpu.memref_slice %arg6[%add3A_18, %dma_start3A_32] : memref<10112x128xf32, #tpu.memory_space<vmem_shared>> -> memref<120x128xf32, #tpu.memory_space<vmem_shared>>
      %dma_start3A_34 = arith.constant 0 : i32
      %dma_start3A_35 = arith.constant 0 : i32
      %dma_start3A_36 = tpu.memref_slice %arg9[%dma_start3A_34, %dma_start3A_35] : memref<128x128xf32, #tpu.memory_space<vmem>> -> memref<120x128xf32, #tpu.memory_space<vmem>>
      tpu.enqueue_dma source(%dma_start3A_36 : memref<120x128xf32, #tpu.memory_space<vmem>>) target(%dma_start3A_33 : memref<120x128xf32, #tpu.memory_space<vmem_shared>>) target_semaphore(%run_scoped3A : memref<!tpu.dma_semaphore, #tpu.memory_space<semaphore_mem>>)
      %dma_wait3A = arith.constant 0 : i32
      %dma_wait3A_37 = arith.constant 0 : i32
      %dma_wait3A_38 = tpu.memref_slice %arg9[%dma_wait3A, %dma_wait3A_37] : memref<128x128xf32, #tpu.memory_space<vmem>> -> memref<120x128xf32, #tpu.memory_space<vmem>>
      %dma_wait3A_39 = arith.constant 0 : i32
      %dma_wait3A_40 = tpu.memref_slice %arg6[%add3A_18, %dma_wait3A_39] : memref<10112x128xf32, #tpu.memory_space<vmem_shared>> -> memref<120x128xf32, #tpu.memory_space<vmem_shared>>
      %dma_wait3A_41 = arith.constant 0 : i32
      %dma_wait3A_42 = tpu.memref_slice %arg6[%add3A_18, %dma_wait3A_41] : memref<10112x128xf32, #tpu.memory_space<vmem_shared>> -> memref<120x128xf32, #tpu.memory_space<vmem_shared>>
      %dma_wait3A_43 = arith.constant 0 : i32
      %dma_wait3A_44 = arith.constant 0 : i32
      %dma_wait3A_45 = tpu.memref_slice %arg9[%dma_wait3A_43, %dma_wait3A_44] : memref<128x128xf32, #tpu.memory_space<vmem>> -> memref<120x128xf32, #tpu.memory_space<vmem>>
      tpu.wait_dma2 semaphore(%run_scoped3A : memref<!tpu.dma_semaphore, #tpu.memory_space<semaphore_mem>>) src(%dma_wait3A_45 : memref<120x128xf32, #tpu.memory_space<vmem>>) dst(%dma_wait3A_42 : memref<120x128xf32, #tpu.memory_space<vmem_shared>>)
      tpu.yield
    }) : () -> ()
    %mul3A_19 = arith.constant 80 : i32
    %mul3A_20 = arith.muli %add3A, %mul3A_19 : i32
    "tpu.region"() ({
      %run_scoped3A = tpu.sem_alloc : memref<!tpu.dma_semaphore, #tpu.memory_space<semaphore_mem>>
      %dma_start3A = arith.constant 0 : i32
      %dma_start3A_28 = tpu.memref_slice %arg3[%mul3A_20, %dma_start3A] : memref<2560x128xi32, #tpu.memory_space<hbm>> -> memref<80x128xi32, #tpu.memory_space<hbm>>
      %dma_start3A_29 = arith.constant 0 : i32
      %dma_start3A_30 = tpu.memref_slice %arg3[%mul3A_20, %dma_start3A_29] : memref<2560x128xi32, #tpu.memory_space<hbm>> -> memref<80x128xi32, #tpu.memory_space<hbm>>
      tpu.enqueue_dma source(%dma_start3A_30 : memref<80x128xi32, #tpu.memory_space<hbm>>) target(%arg7 : memref<80x128xi32, #tpu.memory_space<vmem>>) target_semaphore(%run_scoped3A : memref<!tpu.dma_semaphore, #tpu.memory_space<semaphore_mem>>)
      %dma_wait3A = arith.constant 0 : i32
      %dma_wait3A_31 = tpu.memref_slice %arg3[%mul3A_20, %dma_wait3A] : memref<2560x128xi32, #tpu.memory_space<hbm>> -> memref<80x128xi32, #tpu.memory_space<hbm>>
      %dma_wait3A_32 = arith.constant 0 : i32
      %dma_wait3A_33 = tpu.memref_slice %arg3[%mul3A_20, %dma_wait3A_32] : memref<2560x128xi32, #tpu.memory_space<hbm>> -> memref<80x128xi32, #tpu.memory_space<hbm>>
      tpu.wait_dma2 semaphore(%run_scoped3A : memref<!tpu.dma_semaphore, #tpu.memory_space<semaphore_mem>>) src(%dma_wait3A_33 : memref<80x128xi32, #tpu.memory_space<hbm>>) dst(%arg7 : memref<80x128xi32, #tpu.memory_space<vmem>>)
      tpu.yield
    }) : () -> ()
    "tpu.region"() ({
      %run_scoped3A = tpu.sem_alloc : memref<!tpu.dma_semaphore, #tpu.memory_space<semaphore_mem>>
      %dma_start3A = arith.constant 0 : i32
      %dma_start3A_28 = tpu.memref_slice %arg4[%mul3A_20, %dma_start3A] : memref<2560x128xi32, #tpu.memory_space<hbm>> -> memref<80x128xi32, #tpu.memory_space<hbm>>
      %dma_start3A_29 = arith.constant 0 : i32
      %dma_start3A_30 = tpu.memref_slice %arg4[%mul3A_20, %dma_start3A_29] : memref<2560x128xi32, #tpu.memory_space<hbm>> -> memref<80x128xi32, #tpu.memory_space<hbm>>
      tpu.enqueue_dma source(%dma_start3A_30 : memref<80x128xi32, #tpu.memory_space<hbm>>) target(%arg8 : memref<80x128xi32, #tpu.memory_space<vmem>>) target_semaphore(%run_scoped3A : memref<!tpu.dma_semaphore, #tpu.memory_space<semaphore_mem>>)
      %dma_wait3A = arith.constant 0 : i32
      %dma_wait3A_31 = tpu.memref_slice %arg4[%mul3A_20, %dma_wait3A] : memref<2560x128xi32, #tpu.memory_space<hbm>> -> memref<80x128xi32, #tpu.memory_space<hbm>>
      %dma_wait3A_32 = arith.constant 0 : i32
      %dma_wait3A_33 = tpu.memref_slice %arg4[%mul3A_20, %dma_wait3A_32] : memref<2560x128xi32, #tpu.memory_space<hbm>> -> memref<80x128xi32, #tpu.memory_space<hbm>>
      tpu.wait_dma2 semaphore(%run_scoped3A : memref<!tpu.dma_semaphore, #tpu.memory_space<semaphore_mem>>) src(%dma_wait3A_33 : memref<80x128xi32, #tpu.memory_space<hbm>>) dst(%arg8 : memref<80x128xi32, #tpu.memory_space<vmem>>)
      tpu.yield
    }) : () -> ()
    %barrier3A = arith.constant 0 : index
    tpu.barrier barrier_id(%barrier3A)
    %scan3A_21 = arith.constant 0 : i32
    %scan3A_22 = arith.constant 0 : i32
    %scan3A_23 = arith.constant 80 : i32
    %scan3A_24 = arith.addi %scan3A_22, %scan3A_23 : i32
    %scan3A_25 = arith.constant 1 : i32
    scf.for %scan3A_28 = %scan3A_22 to %scan3A_24 step %scan3A_25  : i32 {
      %dma_start3A = arith.constant 0 : i32
      %dma_start3A_29 = tpu.memref_slice %arg7[%scan3A_28, %dma_start3A] : memref<80x128xi32, #tpu.memory_space<vmem>> -> memref<1x128xi32, #tpu.memory_space<vmem>>
      %dma_start3A_30 = tpu.memref_squeeze %dma_start3A_29 : memref<1x128xi32, #tpu.memory_space<vmem>> -> memref<128xi32, #tpu.memory_space<vmem>>
      %dma_start3A_31 = arith.constant 0 : i32
      %dma_start3A_32 = arith.constant 0 : i32
      %dma_start3A_33 = tpu.memref_slice %arg2[%dma_start3A_31, %dma_start3A_32] : memref<10000x128xf32, #tpu.memory_space<hbm>> -> memref<10000x128xf32, #tpu.memory_space<hbm>>
      tpu.enqueue_indirect_dma source(%dma_start3A_33 : memref<10000x128xf32, #tpu.memory_space<hbm>>) target(%arg9 : memref<128x128xf32, #tpu.memory_space<vmem>>) offsets(%dma_start3A_30 : memref<128xi32, #tpu.memory_space<vmem>>) semaphore(%arg10 : memref<!tpu.dma_semaphore, #tpu.memory_space<semaphore_mem>>)
      %dma_wait3A = arith.constant 0 : i32
      %dma_wait3A_34 = tpu.memref_slice %arg7[%scan3A_28, %dma_wait3A] : memref<80x128xi32, #tpu.memory_space<vmem>> -> memref<1x128xi32, #tpu.memory_space<vmem>>
      %dma_wait3A_35 = tpu.memref_squeeze %dma_wait3A_34 : memref<1x128xi32, #tpu.memory_space<vmem>> -> memref<128xi32, #tpu.memory_space<vmem>>
      %dma_wait3A_36 = arith.constant 0 : i32
      %dma_wait3A_37 = arith.constant 0 : i32
      %dma_wait3A_38 = tpu.memref_slice %arg2[%dma_wait3A_36, %dma_wait3A_37] : memref<10000x128xf32, #tpu.memory_space<hbm>> -> memref<10000x128xf32, #tpu.memory_space<hbm>>
      tpu.wait_indirect_dma semaphore(%arg10 : memref<!tpu.dma_semaphore, #tpu.memory_space<semaphore_mem>>) src(%dma_wait3A_38 : memref<10000x128xf32, #tpu.memory_space<hbm>>) dst(%arg9 : memref<128x128xf32, #tpu.memory_space<vmem>>)
      "tpu.region"() ({
        %run_scoped3A = tpu.sem_alloc : memref<!tpu.dma_semaphore, #tpu.memory_space<semaphore_mem>>
        %dma_start3A_39 = arith.constant 0 : i32
        %dma_start3A_40 = tpu.memref_slice %arg8[%scan3A_28, %dma_start3A_39] : memref<80x128xi32, #tpu.memory_space<vmem>> -> memref<1x128xi32, #tpu.memory_space<vmem>>
        %dma_start3A_41 = tpu.memref_squeeze %dma_start3A_40 : memref<1x128xi32, #tpu.memory_space<vmem>> -> memref<128xi32, #tpu.memory_space<vmem>>
        %dma_start3A_42 = arith.constant 0 : i32
        %dma_start3A_43 = arith.constant 0 : i32
        %dma_start3A_44 = tpu.memref_slice %arg6[%dma_start3A_42, %dma_start3A_43] : memref<10112x128xf32, #tpu.memory_space<vmem_shared>> -> memref<10112x128xf32, #tpu.memory_space<vmem_shared>>
        tpu.enqueue_indirect_dma source(%arg9 : memref<128x128xf32, #tpu.memory_space<vmem>>) target(%dma_start3A_44 : memref<10112x128xf32, #tpu.memory_space<vmem_shared>>) offsets(%dma_start3A_41 : memref<128xi32, #tpu.memory_space<vmem>>) semaphore(%run_scoped3A : memref<!tpu.dma_semaphore, #tpu.memory_space<semaphore_mem>>) {add = true}
        %dma_wait3A_45 = arith.constant 0 : i32
        %dma_wait3A_46 = tpu.memref_slice %arg8[%scan3A_28, %dma_wait3A_45] : memref<80x128xi32, #tpu.memory_space<vmem>> -> memref<1x128xi32, #tpu.memory_space<vmem>>
        %dma_wait3A_47 = tpu.memref_squeeze %dma_wait3A_46 : memref<1x128xi32, #tpu.memory_space<vmem>> -> memref<128xi32, #tpu.memory_space<vmem>>
        %dma_wait3A_48 = arith.constant 0 : i32
        %dma_wait3A_49 = arith.constant 0 : i32
        %dma_wait3A_50 = tpu.memref_slice %arg6[%dma_wait3A_48, %dma_wait3A_49] : memref<10112x128xf32, #tpu.memory_space<vmem_shared>> -> memref<10112x128xf32, #tpu.memory_space<vmem_shared>>
        tpu.wait_indirect_dma semaphore(%run_scoped3A : memref<!tpu.dma_semaphore, #tpu.memory_space<semaphore_mem>>) src(%arg9 : memref<128x128xf32, #tpu.memory_space<vmem>>) dst(%dma_wait3A_50 : memref<10112x128xf32, #tpu.memory_space<vmem_shared>>)
        tpu.yield
      }) : () -> ()
    }
    %scan3A_26 = arith.constant 80 : i32
    %barrier3A_27 = arith.constant 0 : index
    tpu.barrier barrier_id(%barrier3A_27)
    "tpu.region"() ({
      %run_scoped3A = tpu.sem_alloc : memref<!tpu.dma_semaphore, #tpu.memory_space<semaphore_mem>>
      %dma_start3A = arith.constant 0 : i32
      %dma_start3A_28 = tpu.memref_slice %arg5[%arg0, %mul3A_8, %dma_start3A] : memref<2x10112x128xf32, #tpu.memory_space<hbm>> -> memref<1x632x128xf32, #tpu.memory_space<hbm>>
      %dma_start3A_29 = tpu.memref_squeeze %dma_start3A_28 : memref<1x632x128xf32, #tpu.memory_space<hbm>> -> memref<632x128xf32, #tpu.memory_space<hbm>>
      %dma_start3A_30 = arith.constant 0 : i32
      %dma_start3A_31 = tpu.memref_slice %arg6[%mul3A_8, %dma_start3A_30] : memref<10112x128xf32, #tpu.memory_space<vmem_shared>> -> memref<632x128xf32, #tpu.memory_space<vmem_shared>>
      tpu.enqueue_dma source(%dma_start3A_31 : memref<632x128xf32, #tpu.memory_space<vmem_shared>>) target(%dma_start3A_29 : memref<632x128xf32, #tpu.memory_space<hbm>>) target_semaphore(%run_scoped3A : memref<!tpu.dma_semaphore, #tpu.memory_space<semaphore_mem>>)
      %dma_wait3A = arith.constant 0 : i32
      %dma_wait3A_32 = tpu.memref_slice %arg5[%arg0, %mul3A_8, %dma_wait3A] : memref<2x10112x128xf32, #tpu.memory_space<hbm>> -> memref<1x632x128xf32, #tpu.memory_space<hbm>>
      %dma_wait3A_33 = tpu.memref_squeeze %dma_wait3A_32 : memref<1x632x128xf32, #tpu.memory_space<hbm>> -> memref<632x128xf32, #tpu.memory_space<hbm>>
      %dma_wait3A_34 = arith.constant 0 : i32
      %dma_wait3A_35 = tpu.memref_slice %arg6[%mul3A_8, %dma_wait3A_34] : memref<10112x128xf32, #tpu.memory_space<vmem_shared>> -> memref<632x128xf32, #tpu.memory_space<vmem_shared>>
      tpu.wait_dma2 semaphore(%run_scoped3A : memref<!tpu.dma_semaphore, #tpu.memory_space<semaphore_mem>>) src(%dma_wait3A_35 : memref<632x128xf32, #tpu.memory_space<vmem_shared>>) dst(%dma_wait3A_33 : memref<632x128xf32, #tpu.memory_space<hbm>>)
      tpu.yield
    }) : () -> ()
    return
  }
}

module attributes {stable_mosaic.version = 14 : i64} {
  func.func @body(%arg0: i32, %arg1: memref<2x1000x128xf32, #tpu.memory_space<vmem>>, %arg2: memref<1000x128xf32, #tpu.memory_space<vmem>>, %arg3: memref<128x128xf32, #tpu.memory_space<vmem>>, %arg4: memref<128x128xf32, #tpu.memory_space<vmem>>, %arg5: memref<1x128xf32, #tpu.memory_space<vmem>>, %arg6: memref<1x1x1000xi32, #tpu.memory_space<vmem>>, %arg7: memref<64x128xf32, #tpu.memory_space<vmem>>, %arg8: memref<64x1xf32, #tpu.memory_space<vmem>>) attributes {dimension_semantics = [#tpu.dimension_semantics<arbitrary>], iteration_bounds = array<i64: 10>, scalar_prefetch = 0 : i64, scratch_operands = 0 : i64, tpu.core_type = #tpu.core_type<tc>, window_params = [{transform_indices = @transform_0, window_bounds = array<i64: 2, 1000, 128>}, {transform_indices = @transform_1, window_bounds = array<i64: 1000, 128>}, {pipeline_mode = #tpu.pipeline_mode<synchronous>, transform_indices = @transform_2, window_bounds = array<i64: 128, 128>}, {pipeline_mode = #tpu.pipeline_mode<synchronous>, transform_indices = @transform_3, window_bounds = array<i64: 128, 128>}, {pipeline_mode = #tpu.pipeline_mode<synchronous>, transform_indices = @transform_4, window_bounds = array<i64: 1, 128>}, {transform_indices = @transform_5, window_bounds = array<i64: 1, 1, 1000>}, {pipeline_mode = #tpu.pipeline_mode<synchronous>, transform_indices = @transform_6, window_bounds = array<i64: 64, 128>}, {pipeline_mode = #tpu.pipeline_mode<synchronous>, transform_indices = @transform_7, window_bounds = array<i64: 64, 1>}]} {
    %get3A = arith.constant 0 : index
    %get3A_0 = arith.constant 0 : index
    %get3A_1 = arith.constant 0 : index
    %get3A_2 = vector.load %arg1[%get3A, %get3A_0, %get3A_1] : memref<2x1000x128xf32, #tpu.memory_space<vmem>>, vector<1x1000x128xf32>
    %get3A_3 = vector.shape_cast %get3A_2 : vector<1x1000x128xf32> to vector<1000x128xf32>
    %get3A_4 = arith.constant 1 : index
    %get3A_5 = arith.constant 0 : index
    %get3A_6 = arith.constant 0 : index
    %get3A_7 = vector.load %arg1[%get3A_4, %get3A_5, %get3A_6] : memref<2x1000x128xf32, #tpu.memory_space<vmem>>, vector<1x1000x128xf32>
    %get3A_8 = vector.shape_cast %get3A_7 : vector<1x1000x128xf32> to vector<1000x128xf32>
    %add3A = arith.addf %get3A_3, %get3A_8 : vector<1000x128xf32>
    %get3A_9 = arith.constant 0 : index
    %get3A_10 = arith.constant 0 : index
    %get3A_11 = vector.load %arg3[%get3A_9, %get3A_10] : memref<128x128xf32, #tpu.memory_space<vmem>>, vector<128x128xf32>
    %dot_general3A = arith.constant dense<0.000000e+00> : vector<1000x128xf32>
    %dot_general3A_12 = tpu.matmul %add3A, %get3A_11, %dot_general3A {dimension_numbers = #tpu.dot_dimension_numbers<[1], [0], [0], [1], [0, 0, 1, 1], [], []>, transpose_lhs_hint = false} : vector<1000x128xf32>, vector<128x128xf32>, vector<1000x128xf32> -> vector<1000x128xf32>
    %get3A_13 = arith.constant 0 : index
    %get3A_14 = arith.constant 0 : index
    %get3A_15 = vector.load %arg2[%get3A_13, %get3A_14] : memref<1000x128xf32, #tpu.memory_space<vmem>>, vector<1000x128xf32>
    %get3A_16 = arith.constant 0 : index
    %get3A_17 = arith.constant 0 : index
    %get3A_18 = vector.load %arg4[%get3A_16, %get3A_17] : memref<128x128xf32, #tpu.memory_space<vmem>>, vector<128x128xf32>
    %dot_general3A_19 = arith.constant dense<0.000000e+00> : vector<1000x128xf32>
    %dot_general3A_20 = tpu.matmul %get3A_15, %get3A_18, %dot_general3A_19 {dimension_numbers = #tpu.dot_dimension_numbers<[1], [0], [0], [1], [0, 0, 1, 1], [], []>, transpose_lhs_hint = false} : vector<1000x128xf32>, vector<128x128xf32>, vector<1000x128xf32> -> vector<1000x128xf32>
    %add3A_21 = arith.addf %dot_general3A_12, %dot_general3A_20 : vector<1000x128xf32>
    %get3A_22 = arith.constant 0 : index
    %get3A_23 = arith.constant 0 : index
    %get3A_24 = vector.load %arg5[%get3A_22, %get3A_23] : memref<1x128xf32, #tpu.memory_space<vmem>>, vector<1x128xf32>
    %add3A_25 = vector.broadcast %get3A_24 : vector<1x128xf32> to vector<1000x128xf32>
    %add3A_26 = arith.addf %add3A_21, %add3A_25 : vector<1000x128xf32>
    %max3A = arith.constant 0.000000e+00 : f32
    %max3A_27 = vector.broadcast %max3A : f32 to vector<1000x128xf32>
    %max3A_28 = arith.maximumf %add3A_26, %max3A_27 : vector<1000x128xf32>
    %get3A_29 = arith.constant 0 : index
    %get3A_30 = arith.constant 0 : index
    %get3A_31 = arith.constant 0 : index
    %get3A_32 = vector.load %arg6[%get3A_29, %get3A_30, %get3A_31] : memref<1x1x1000xi32, #tpu.memory_space<vmem>>, vector<1x1x1000xi32>
    %get3A_33 = vector.shape_cast %get3A_32 : vector<1x1x1000xi32> to vector<1x1000xi32>
    %iota3A = tpu.iota {dimensions = array<i32: 0>} : vector<64x1000xi32>
    %eq3A = vector.broadcast %get3A_33 : vector<1x1000xi32> to vector<64x1000xi32>
    %eq3A_34 = arith.cmpi eq, %iota3A, %eq3A : vector<64x1000xi32>
    %convert_element_type3A = arith.extui %eq3A_34 : vector<64x1000xi1> to vector<64x1000xi32>
    %convert_element_type3A_35 = arith.sitofp %convert_element_type3A : vector<64x1000xi32> to vector<64x1000xf32>
    %dot_general3A_36 = arith.constant dense<0.000000e+00> : vector<64x128xf32>
    %dot_general3A_37 = tpu.matmul %convert_element_type3A_35, %max3A_28, %dot_general3A_36 {dimension_numbers = #tpu.dot_dimension_numbers<[1], [0], [0], [1], [0, 0, 1, 1], [], []>, transpose_lhs_hint = false} : vector<64x1000xf32>, vector<1000x128xf32>, vector<64x128xf32> -> vector<64x128xf32>
    %reduce_sum3A = arith.constant dense<0.000000e+00> : vector<64xf32>
    %reduce_sum3A_38 = vector.multi_reduction <add>, %convert_element_type3A_35, %reduce_sum3A [1] : vector<64x1000xf32> to vector<64xf32>
    %broadcast_in_dim3A = vector.shape_cast %reduce_sum3A_38 : vector<64xf32> to vector<64x1xf32>
    %eq3A_39 = arith.constant 0 : i32
    %eq3A_40 = arith.cmpi eq, %arg0, %eq3A_39 : i32
    %convert_element_type3A_41 = arith.extui %eq3A_40 : i1 to i32
    %cond3A = arith.constant 0 : i32
    %cond3A_42 = arith.cmpi ne, %convert_element_type3A_41, %cond3A : i32
    scf.if %cond3A_42 {
      %swap3A = arith.constant 0 : index
      %swap3A_47 = arith.constant 0 : index
      %swap3A_48 = vector.load %arg7[%swap3A, %swap3A_47] : memref<64x128xf32, #tpu.memory_space<vmem>>, vector<64x128xf32>
      tpu.vector_store %arg7[%swap3A, %swap3A_47], %dot_general3A_37 {strides = array<i32>} : memref<64x128xf32, #tpu.memory_space<vmem>>, vector<64x128xf32>,
      %swap3A_49 = arith.constant 0 : index
      %swap3A_50 = arith.constant 0 : index
      %swap3A_51 = vector.load %arg8[%swap3A_49, %swap3A_50] : memref<64x1xf32, #tpu.memory_space<vmem>>, vector<64x1xf32>
      tpu.vector_store %arg8[%swap3A_49, %swap3A_50], %broadcast_in_dim3A {strides = array<i32>} : memref<64x1xf32, #tpu.memory_space<vmem>>, vector<64x1xf32>,
    } else {
    }
    %gt3A = arith.constant 0 : i32
    %gt3A_43 = arith.cmpi sgt, %arg0, %gt3A : i32
    %convert_element_type3A_44 = arith.extui %gt3A_43 : i1 to i32
    %cond3A_45 = arith.constant 0 : i32
    %cond3A_46 = arith.cmpi ne, %convert_element_type3A_44, %cond3A_45 : i32
    scf.if %cond3A_46 {
      %get3A_47 = arith.constant 0 : index
      %get3A_48 = arith.constant 0 : index
      %get3A_49 = vector.load %arg7[%get3A_47, %get3A_48] : memref<64x128xf32, #tpu.memory_space<vmem>>, vector<64x128xf32>
      %add3A_50 = arith.addf %get3A_49, %dot_general3A_37 : vector<64x128xf32>
      %swap3A = arith.constant 0 : index
      %swap3A_51 = arith.constant 0 : index
      %swap3A_52 = vector.load %arg7[%swap3A, %swap3A_51] : memref<64x128xf32, #tpu.memory_space<vmem>>, vector<64x128xf32>
      tpu.vector_store %arg7[%swap3A, %swap3A_51], %add3A_50 {strides = array<i32>} : memref<64x128xf32, #tpu.memory_space<vmem>>, vector<64x128xf32>,
      %get3A_53 = arith.constant 0 : index
      %get3A_54 = arith.constant 0 : index
      %get3A_55 = vector.load %arg8[%get3A_53, %get3A_54] : memref<64x1xf32, #tpu.memory_space<vmem>>, vector<64x1xf32>
      %add3A_56 = arith.addf %get3A_55, %broadcast_in_dim3A : vector<64x1xf32>
      %swap3A_57 = arith.constant 0 : index
      %swap3A_58 = arith.constant 0 : index
      %swap3A_59 = vector.load %arg8[%swap3A_57, %swap3A_58] : memref<64x1xf32, #tpu.memory_space<vmem>>, vector<64x1xf32>
      tpu.vector_store %arg8[%swap3A_57, %swap3A_58], %add3A_56 {strides = array<i32>} : memref<64x1xf32, #tpu.memory_space<vmem>>, vector<64x1xf32>,
    } else {
    }
    return
  }
  func.func @transform_0(%arg0: i32) -> (i32, i32, i32) {
    %c0_i32 = arith.constant 0 : i32
    %c0_i32_0 = arith.constant 0 : i32
    %c0_i32_1 = arith.constant 0 : i32
    return %c0_i32, %arg0, %c0_i32_0 : i32, i32, i32
  }
  func.func @transform_1(%arg0: i32) -> (i32, i32) {
    %c0_i32 = arith.constant 0 : i32
    %c0_i32_0 = arith.constant 0 : i32
    return %arg0, %c0_i32 : i32, i32
  }
  func.func @transform_2(%arg0: i32) -> (i32, i32) {
    %c0_i32 = arith.constant 0 : i32
    %c0_i32_0 = arith.constant 0 : i32
    %c0_i32_1 = arith.constant 0 : i32
    return %c0_i32, %c0_i32_0 : i32, i32
  }
  func.func @transform_3(%arg0: i32) -> (i32, i32) {
    %c0_i32 = arith.constant 0 : i32
    %c0_i32_0 = arith.constant 0 : i32
    %c0_i32_1 = arith.constant 0 : i32
    return %c0_i32, %c0_i32_0 : i32, i32
  }
  func.func @transform_4(%arg0: i32) -> (i32, i32) {
    %c0_i32 = arith.constant 0 : i32
    %c0_i32_0 = arith.constant 0 : i32
    %c0_i32_1 = arith.constant 0 : i32
    return %c0_i32, %c0_i32_0 : i32, i32
  }
  func.func @transform_5(%arg0: i32) -> (i32, i32, i32) {
    %c0_i32 = arith.constant 0 : i32
    %c0_i32_0 = arith.constant 0 : i32
    %c0_i32_1 = arith.constant 0 : i32
    return %arg0, %c0_i32, %c0_i32_0 : i32, i32, i32
  }
  func.func @transform_6(%arg0: i32) -> (i32, i32) {
    %c0_i32 = arith.constant 0 : i32
    %c0_i32_0 = arith.constant 0 : i32
    %c0_i32_1 = arith.constant 0 : i32
    return %c0_i32, %c0_i32_0 : i32, i32
  }
  func.func @transform_7(%arg0: i32) -> (i32, i32) {
    %c0_i32 = arith.constant 0 : i32
    %c0_i32_0 = arith.constant 0 : i32
    %c0_i32_1 = arith.constant 0 : i32
    return %c0_i32, %c0_i32_0 : i32, i32
  }
}

module attributes {stable_mosaic.version = 14 : i64} {
  func.func @body(%arg0: i32, %arg1: memref<2x1000x128xf32, #tpu.memory_space<vmem>>, %arg2: memref<1000x128xf32, #tpu.memory_space<vmem>>, %arg3: memref<128x128xf32, #tpu.memory_space<vmem>>, %arg4: memref<128x128xf32, #tpu.memory_space<vmem>>, %arg5: memref<1x128xf32, #tpu.memory_space<vmem>>, %arg6: memref<1000x128xf32, #tpu.memory_space<vmem>>) attributes {dimension_semantics = [#tpu.dimension_semantics<arbitrary>], iteration_bounds = array<i64: 10>, scalar_prefetch = 0 : i64, scratch_operands = 0 : i64, tpu.core_type = #tpu.core_type<tc>, window_params = [{transform_indices = @transform_0, window_bounds = array<i64: 2, 1000, 128>}, {transform_indices = @transform_1, window_bounds = array<i64: 1000, 128>}, {pipeline_mode = #tpu.pipeline_mode<synchronous>, transform_indices = @transform_2, window_bounds = array<i64: 128, 128>}, {pipeline_mode = #tpu.pipeline_mode<synchronous>, transform_indices = @transform_3, window_bounds = array<i64: 128, 128>}, {pipeline_mode = #tpu.pipeline_mode<synchronous>, transform_indices = @transform_4, window_bounds = array<i64: 1, 128>}, {transform_indices = @transform_5, window_bounds = array<i64: 1000, 128>}]} {
    %get3A = arith.constant 0 : index
    %get3A_0 = arith.constant 0 : index
    %get3A_1 = arith.constant 0 : index
    %get3A_2 = vector.load %arg1[%get3A, %get3A_0, %get3A_1] : memref<2x1000x128xf32, #tpu.memory_space<vmem>>, vector<1x1000x128xf32>
    %get3A_3 = vector.shape_cast %get3A_2 : vector<1x1000x128xf32> to vector<1000x128xf32>
    %get3A_4 = arith.constant 1 : index
    %get3A_5 = arith.constant 0 : index
    %get3A_6 = arith.constant 0 : index
    %get3A_7 = vector.load %arg1[%get3A_4, %get3A_5, %get3A_6] : memref<2x1000x128xf32, #tpu.memory_space<vmem>>, vector<1x1000x128xf32>
    %get3A_8 = vector.shape_cast %get3A_7 : vector<1x1000x128xf32> to vector<1000x128xf32>
    %add3A = arith.addf %get3A_3, %get3A_8 : vector<1000x128xf32>
    %get3A_9 = arith.constant 0 : index
    %get3A_10 = arith.constant 0 : index
    %get3A_11 = vector.load %arg3[%get3A_9, %get3A_10] : memref<128x128xf32, #tpu.memory_space<vmem>>, vector<128x128xf32>
    %dot_general3A = arith.constant dense<0.000000e+00> : vector<1000x128xf32>
    %dot_general3A_12 = tpu.matmul %add3A, %get3A_11, %dot_general3A {dimension_numbers = #tpu.dot_dimension_numbers<[1], [0], [0], [1], [0, 0, 1, 1], [], []>, transpose_lhs_hint = false} : vector<1000x128xf32>, vector<128x128xf32>, vector<1000x128xf32> -> vector<1000x128xf32>
    %get3A_13 = arith.constant 0 : index
    %get3A_14 = arith.constant 0 : index
    %get3A_15 = vector.load %arg2[%get3A_13, %get3A_14] : memref<1000x128xf32, #tpu.memory_space<vmem>>, vector<1000x128xf32>
    %get3A_16 = arith.constant 0 : index
    %get3A_17 = arith.constant 0 : index
    %get3A_18 = vector.load %arg4[%get3A_16, %get3A_17] : memref<128x128xf32, #tpu.memory_space<vmem>>, vector<128x128xf32>
    %dot_general3A_19 = arith.constant dense<0.000000e+00> : vector<1000x128xf32>
    %dot_general3A_20 = tpu.matmul %get3A_15, %get3A_18, %dot_general3A_19 {dimension_numbers = #tpu.dot_dimension_numbers<[1], [0], [0], [1], [0, 0, 1, 1], [], []>, transpose_lhs_hint = false} : vector<1000x128xf32>, vector<128x128xf32>, vector<1000x128xf32> -> vector<1000x128xf32>
    %add3A_21 = arith.addf %dot_general3A_12, %dot_general3A_20 : vector<1000x128xf32>
    %get3A_22 = arith.constant 0 : index
    %get3A_23 = arith.constant 0 : index
    %get3A_24 = vector.load %arg5[%get3A_22, %get3A_23] : memref<1x128xf32, #tpu.memory_space<vmem>>, vector<1x128xf32>
    %add3A_25 = vector.broadcast %get3A_24 : vector<1x128xf32> to vector<1000x128xf32>
    %add3A_26 = arith.addf %add3A_21, %add3A_25 : vector<1000x128xf32>
    %max3A = arith.constant 0.000000e+00 : f32
    %max3A_27 = vector.broadcast %max3A : f32 to vector<1000x128xf32>
    %max3A_28 = arith.maximumf %add3A_26, %max3A_27 : vector<1000x128xf32>
    %swap3A = arith.constant 0 : index
    %swap3A_29 = arith.constant 0 : index
    %swap3A_30 = vector.load %arg6[%swap3A, %swap3A_29] : memref<1000x128xf32, #tpu.memory_space<vmem>>, vector<1000x128xf32>
    tpu.vector_store %arg6[%swap3A, %swap3A_29], %max3A_28 {strides = array<i32>} : memref<1000x128xf32, #tpu.memory_space<vmem>>, vector<1000x128xf32>,
    return
  }
  func.func @transform_0(%arg0: i32) -> (i32, i32, i32) {
    %c0_i32 = arith.constant 0 : i32
    %c0_i32_0 = arith.constant 0 : i32
    %c0_i32_1 = arith.constant 0 : i32
    return %c0_i32, %arg0, %c0_i32_0 : i32, i32, i32
  }
  func.func @transform_1(%arg0: i32) -> (i32, i32) {
    %c0_i32 = arith.constant 0 : i32
    %c0_i32_0 = arith.constant 0 : i32
    return %arg0, %c0_i32 : i32, i32
  }
  func.func @transform_2(%arg0: i32) -> (i32, i32) {
    %c0_i32 = arith.constant 0 : i32
    %c0_i32_0 = arith.constant 0 : i32
    %c0_i32_1 = arith.constant 0 : i32
    return %c0_i32, %c0_i32_0 : i32, i32
  }
  func.func @transform_3(%arg0: i32) -> (i32, i32) {
    %c0_i32 = arith.constant 0 : i32
    %c0_i32_0 = arith.constant 0 : i32
    %c0_i32_1 = arith.constant 0 : i32
    return %c0_i32, %c0_i32_0 : i32, i32
  }
  func.func @transform_4(%arg0: i32) -> (i32, i32) {
    %c0_i32 = arith.constant 0 : i32
    %c0_i32_0 = arith.constant 0 : i32
    %c0_i32_1 = arith.constant 0 : i32
    return %c0_i32, %c0_i32_0 : i32, i32
  }
  func.func @transform_5(%arg0: i32) -> (i32, i32) {
    %c0_i32 = arith.constant 0 : i32
    %c0_i32_0 = arith.constant 0 : i32
    return %arg0, %c0_i32 : i32, i32
  }
}

module attributes {stable_mosaic.version = 14 : i64} {
  func.func @body(%arg0: memref<64x128xf32, #tpu.memory_space<vmem>>, %arg1: memref<64x1xf32, #tpu.memory_space<vmem>>, %arg2: memref<128x64xf32, #tpu.memory_space<vmem>>, %arg3: memref<1x64xf32, #tpu.memory_space<vmem>>, %arg4: memref<64x64xf32, #tpu.memory_space<vmem>>) attributes {dimension_semantics = [], scalar_prefetch = 0 : i64, scratch_operands = 0 : i64, tpu.core_type = #tpu.core_type<tc>} {
    %get3A = arith.constant 0 : index
    %get3A_0 = arith.constant 0 : index
    %get3A_1 = vector.load %arg0[%get3A, %get3A_0] : memref<64x128xf32, #tpu.memory_space<vmem>>, vector<64x128xf32>
    %get3A_2 = arith.constant 0 : index
    %get3A_3 = arith.constant 0 : index
    %get3A_4 = vector.load %arg1[%get3A_2, %get3A_3] : memref<64x1xf32, #tpu.memory_space<vmem>>, vector<64x1xf32>
    %max3A = arith.constant 1.000000e+00 : f32
    %max3A_5 = vector.broadcast %max3A : f32 to vector<64x1xf32>
    %max3A_6 = arith.maximumf %get3A_4, %max3A_5 : vector<64x1xf32>
    %div3A = vector.broadcast %max3A_6 : vector<64x1xf32> to vector<64x128xf32>
    %div3A_7 = arith.divf %get3A_1, %div3A : vector<64x128xf32>
    %get3A_8 = arith.constant 0 : index
    %get3A_9 = arith.constant 0 : index
    %get3A_10 = vector.load %arg2[%get3A_8, %get3A_9] : memref<128x64xf32, #tpu.memory_space<vmem>>, vector<128x64xf32>
    %dot_general3A = arith.constant dense<0.000000e+00> : vector<64x64xf32>
    %dot_general3A_11 = tpu.matmul %div3A_7, %get3A_10, %dot_general3A {dimension_numbers = #tpu.dot_dimension_numbers<[1], [0], [0], [1], [0, 0, 1, 1], [], []>, transpose_lhs_hint = false} : vector<64x128xf32>, vector<128x64xf32>, vector<64x64xf32> -> vector<64x64xf32>
    %get3A_12 = arith.constant 0 : index
    %get3A_13 = arith.constant 0 : index
    %get3A_14 = vector.load %arg3[%get3A_12, %get3A_13] : memref<1x64xf32, #tpu.memory_space<vmem>>, vector<1x64xf32>
    %add3A = vector.broadcast %get3A_14 : vector<1x64xf32> to vector<64x64xf32>
    %add3A_15 = arith.addf %dot_general3A_11, %add3A : vector<64x64xf32>
    %reduce_max3A = arith.constant dense<0xFF800000> : vector<64xf32>
    %reduce_max3A_16 = vector.multi_reduction <maximumf>, %add3A_15, %reduce_max3A [1] : vector<64x64xf32> to vector<64xf32>
    %broadcast_in_dim3A = vector.shape_cast %reduce_max3A_16 : vector<64xf32> to vector<64x1xf32>
    %sub3A = vector.broadcast %broadcast_in_dim3A : vector<64x1xf32> to vector<64x64xf32>
    %sub3A_17 = arith.subf %add3A_15, %sub3A : vector<64x64xf32>
    %exp3A = math.exp %sub3A_17 : vector<64x64xf32>
    %reduce_sum3A = arith.constant dense<0.000000e+00> : vector<64xf32>
    %reduce_sum3A_18 = vector.multi_reduction <add>, %exp3A, %reduce_sum3A [1] : vector<64x64xf32> to vector<64xf32>
    %broadcast_in_dim3A_19 = vector.shape_cast %reduce_sum3A_18 : vector<64xf32> to vector<64x1xf32>
    %log3A = math.log %broadcast_in_dim3A_19 : vector<64x1xf32>
    %sub3A_20 = vector.broadcast %log3A : vector<64x1xf32> to vector<64x64xf32>
    %sub3A_21 = arith.subf %sub3A_17, %sub3A_20 : vector<64x64xf32>
    %swap3A = arith.constant 0 : index
    %swap3A_22 = arith.constant 0 : index
    %swap3A_23 = vector.load %arg4[%swap3A, %swap3A_22] : memref<64x64xf32, #tpu.memory_space<vmem>>, vector<64x64xf32>
    tpu.vector_store %arg4[%swap3A, %swap3A_22], %sub3A_21 {strides = array<i32>} : memref<64x64xf32, #tpu.memory_space<vmem>>, vector<64x64xf32>,
    return
  }
}

</mosaic_0001>

<sc_bundles>
// kernel: kernel.10.cloned.1.call-start
scs
__scs_entry_jumppad:
0x0: {  	(pc) =	sbr.rel $0x88, $3  }
0x1: {  	(tag) =	ssettag $0x0;
	lr =	simm.s32 $0x1  }
0x2: {  	[smem:$0x3F96] =	sst lr;
	_ =	strace $0xD0000000  }
0x3: {  	_ = 	snop  }
0x4: {  	_ = 	snop  }
0x5: {  	_ = 	snop  }
0x6: {  	_ = 	snop  }
0x7: {  	_ = 	snop  }
__scs_overlays_trampoline_lowered:
0x8: {  	[smem:$0x3FA5] =	sst s0  }
0x9: {  	[smem:$0x3FA6] =	sst s1  }
0xa: {  	[smem:$0x3FA7] =	sst s2  }
0xb: {  	[smem:$0x3FA8] =	sst s3  }
0xc: {  	[smem:$0x3FA9] =	sst s4  }
0xd: {  	[smem:$0x3FAA] =	sst s5  }
0xe: {  	[smem:$0x3FAB] =	sst s6  }
0xf: {  	[smem:$0x3FAC] =	sst s7  }
0x10: {  	[smem:$0x3FAD] =	sst s8  }
0x11: {  	[smem:$0x3FAE] =	sst s9;
	s0 =	simm.s32 @!p0 $0x0  }
0x12: {  	s1 =	sld [smem:$0x3F94];
	s0 =	simm.s32 @p0 $0x1  }
0x13: {  	[smem:$0x3FAF] =	sst s0;
	s0 =	simm.s32 @!p1 $0x0  }
0x14: {  	s2 =	sld [smem:$0x3F93];
	s0 =	simm.s32 @p1 $0x1  }
0x15: {  	[smem:$0x3FB0] =	sst s0;
	s0 =	simm.s32 @!p2 $0x0  }
0x16: {  	s3 =	sld [smem:$0x3FDB];
	s0 =	simm.s32 @p2 $0x1  }
0x17: {  	s4 =	simm.s32 $0x1BF5;
	[smem:$0x3FB2] =	sst s0  }
0x18: {  	s0 =	sld [smem:$0x3F95];
	_ =	swait.ge [sflag:s4], $0x0  }
0x19: {  	s7 =	sld [smem:$0x3F96]  }
0x1a: {  	s8 =	sadd.s32 $0xFFFFE003, lr  }
0x1b: {  	s9 =	sadd.s32 $0xFFFFFEF7, lr;
	s5 =	simm.s32 $0xFFFFFFFF;
	p2 =	slt.u32 s8, $0xFFFFF086  }
0x1c: {  	p1 =	slt.u32 s9, $0xF7A;
	s5 =	simm.s32 @!p2 $0x0  }
0x1d: {  	s5 =	simm.s32 @p1 $0x1;
	p0 =	seq.s32 s7, s2  }
0x1e: {  	s7 =	smul.u32 @!p0 $0xF7A, s2;
	p2 =	seq.s32 @!p0 s5, $0x0  }
0x1f: {  	s9 =	smul.u32 $0xF7A, s1;
	s8 =	simm.s32 @!p0 $0x1BF5;
	p2 =	por !p2, p0  }
0x20: {  	[sflag:s8] =	ssyncset.s32 @!p0 $0xFFFFF086;
	s6 =	sadd.s32 @!p0 s3, s7;
	s7 =	simm.s32 @!p0 $0x108  }
0x21: {  	s3 =	sadd.s32 s3, s9;
	s6 =	sadd.s32 @!p0 $0x88, s6;
	s7 =	simm.s32 @p2 $0x1082  }
0x22: {  	[simem:s7], [sflag:s8] =	dma.local @!p0 [hbm:s6], $0xF7A  }
0x23: {  	s9 =	sor.u32 $0xD0000000, s2;
	s6 =	simm.s32 $0x108;
	_ =	swait.ge @!p0 [sflag:s8], $0x0  }
0x24: {  	s3 =	sadd.s32 $0x88, s3;
	s6 =	simm.s32 @!p1 $0x1082;
	[sflag:s4] =	ssyncset.s32 $0xFFFFF086  }
0x25: {  	[simem:s6], [sflag:s4] =	dma.local [hbm:s3], $0xF7A  }
0x26: {  	[smem:$0x3F96] =	sst s1;
	(tag) =	ssettag s2;
	_ =	strace s9  }
0x27: {  	s1 =	sld [smem:$0x3FA6]  }
0x28: {  	s2 =	sld [smem:$0x3FA7]  }
0x29: {  	s4 =	sld [smem:$0x3FA9]  }
0x2a: {  	p0 =	seq.s32 s5, $0x0;
	s5 =	sld [smem:$0x3FAA]  }
0x2b: {  	s6 =	sld [smem:$0x3FAB]  }
0x2c: {  	s7 =	sld [smem:$0x3FAC]  }
0x2d: {  	s3 =	simm.s32 $0x108;
	s8 =	sld [smem:$0x3FAD]  }
0x2e: {  	s3 =	simm.s32 @!p0 $0x1082;
	s9 =	sld [smem:$0x3FAE]  }
0x2f: {  	lr =	sadd.s32 s0, s3;
	s0 =	sld [smem:$0x3FA5]  }
0x30: {  	s3 =	sld [smem:$0x3FA8]  }
0x31: {  	[smem:$0x3FB1] =	sst s10  }
0x32: {  	s10 =	sld [smem:$0x3FAF];
	_ =	sdelay $0x3  }
0x33: {  	p0 =	seq.s32 s10, $0x1;
	s10 =	sld [smem:$0x3FB1];
	_ =	sdelay $0x3  }
0x34: {  	[smem:$0x3FB1] =	sst s10  }
0x35: {  	s10 =	sld [smem:$0x3FB0];
	_ =	sdelay $0x3  }
0x36: {  	p1 =	seq.s32 s10, $0x1;
	s10 =	sld [smem:$0x3FB1];
	_ =	sdelay $0x3  }
0x37: {  	[smem:$0x3FB1] =	sst s10  }
0x38: {  	s10 =	sld [smem:$0x3FB2]  }
0x39: {  	_ = 	snop;
	(pc) =	sbr.ind lr, $3  }
0x3a: {  	_ = 	snop  }
0x3b: {  	_ = 	snop  }
0x3c: {  	p2 =	seq.s32 s10, $0x1;
	s10 =	sld [smem:$0x3FB1]  }
0x3d: {  	_ =	shalt  }
0x3e: {  	_ =	shalt  }
0x3f: {  	_ =	shalt  }
0x40: {  	_ =	shalt  }
0x41: {  	_ =	shalt  }
0x42: {  	_ =	shalt  }
0x43: {  	_ =	shalt  }
0x44: {  	_ =	shalt  }
0x45: {  	_ =	shalt  }
0x46: {  	_ =	shalt  }
0x47: {  	_ =	shalt  }
0x48: {  	_ =	shalt  }
0x49: {  	_ =	shalt  }
0x4a: {  	_ =	shalt  }
0x4b: {  	_ =	shalt  }
0x4c: {  	_ =	shalt  }
0x4d: {  	_ =	shalt  }
0x4e: {  	_ =	shalt  }
0x4f: {  	_ =	shalt  }
0x50: {  	_ =	shalt  }
0x51: {  	_ =	shalt  }
0x52: {  	_ =	shalt  }
0x53: {  	_ =	shalt  }
0x54: {  	_ =	shalt  }
0x55: {  	_ =	shalt  }
0x56: {  	_ =	shalt  }
0x57: {  	_ =	shalt  }
0x58: {  	_ =	shalt  }
0x59: {  	_ =	shalt  }
0x5a: {  	_ =	shalt  }
0x5b: {  	_ =	shalt  }
0x5c: {  	_ =	shalt  }
0x5d: {  	_ =	shalt  }
0x5e: {  	_ =	shalt  }
0x5f: {  	_ =	shalt  }
0x60: {  	_ =	shalt  }
0x61: {  	_ =	shalt  }
0x62: {  	_ =	shalt  }
0x63: {  	_ =	shalt  }
0x64: {  	_ =	shalt  }
0x65: {  	_ =	shalt  }
0x66: {  	_ =	shalt  }
0x67: {  	_ =	shalt  }
0x68: {  	_ =	shalt  }
0x69: {  	_ =	shalt  }
0x6a: {  	_ =	shalt  }
0x6b: {  	_ =	shalt  }
0x6c: {  	_ =	shalt  }
0x6d: {  	_ =	shalt  }
0x6e: {  	_ =	shalt  }
0x6f: {  	_ =	shalt  }
0x70: {  	_ =	shalt  }
0x71: {  	_ =	shalt  }
0x72: {  	_ =	shalt  }
0x73: {  	_ =	shalt  }
0x74: {  	_ =	shalt  }
0x75: {  	_ =	shalt  }
0x76: {  	_ =	shalt  }
0x77: {  	_ =	shalt  }
0x78: {  	_ =	shalt  }
0x79: {  	_ =	shalt  }
0x7a: {  	_ =	shalt  }
0x7b: {  	_ =	shalt  }
0x7c: {  	_ =	shalt  }
0x7d: {  	_ =	shalt  }
0x7e: {  	_ =	shalt  }
0x7f: {  	_ =	shalt  }
0x80: {  	_ =	shalt  }
0x81: {  	_ =	shalt  }
0x82: {  	_ =	shalt  }
0x83: {  	_ =	shalt  }
0x84: {  	_ =	shalt  }
0x85: {  	_ =	shalt  }
0x86: {  	_ =	shalt  }
0x87: {  	_ =	shalt  }
.Lfunc_end0:
.L_simem_size_0:
called_computation.1_lowered:
.L_overlay_start_0:
0x88: {  	s2 =	sld [smem:$0x3FD9]  }
0x89: {  	s3 =	sld [smem:$0x3FFE];
	_ =	sdelay $0x1  }
0x8a: {  	s1 =	srdreg.scid  }
0x8b: {  	s0 =	sand.u32 $0x1, s1  }
0x8c: {  	s16 =	sshll.u32 s0, $0xA;
	s2 =	sadd.s32 s3, s2  }
0x8d: {  	s2 =	sadd.s32 s2, s16  }
0x8e: {  	[smem:$0x3FBD] =	sst s2  }
0x8f: {  	_ = 	snop  }
0x90: {  	(tm) =	ssettm $0x1  }
0x91: {  	s17 =	sld [smem:$0x3FFB];
	_ =	sdelay $0x3  }
0x92: {  	_ =	strace s17  }
0x93: {  	s2 =	sld [smem:$0x3FFC];
	_ =	sdelay $0x3  }
0x94: {  	_ =	strace s2  }
0x95: {  	s2 =	sld [smem:$0x3FFD];
	_ =	sdelay $0x3  }
0x96: {  	_ =	strace s2  }
0x97: {  	_ =	strace $0x8FFFFFFF  }
0x98: {  	s18 =	sld [smem:$0x3FDB];
	_ =	sdelay $0x1  }
0x99: {  	s19 =	simm.s32 $_scs_section_size  }
0x9a: {  	s4 =	simm.s32 $_size__tile_overlayer_lowered;
	s5 =	simm.s32 $_tile_overlayer_lowered  }
0x9b: {  	s22 =	simm.s32 $0x1BFF;
	s21 =	sshll.u32 s5, $0x1;
	s2 =	sadd.s32 s19, s18  }
0x9c: {  	s6 =	simm.s32 $0x0;
	s20 =	sshll.u32 s4, $0x1;
	s4 =	sadd.s32 s21, s2  }
0x9d: {  	[timem:s6], [sflag:s22] =	dma.local [hbm:s4], s20  }
0x9e: {  	_ =	swait.ge [sflag:s22], s20  }
0x9f: {  	s3 =	ssub.s32 $0x0, s20;
	[sflag:s22] =	ssyncset.done $0x0  }
0xa0: {  	[sflag:s22] =	ssyncadd.s32 s3;
	_ =	sdelay $0x1  }
0xa1: {  	s23 =	simm.s32 $0x1B8B  }
0xa2: {  	_ =	swait.ge [sflag:s23], $0x1  }
0xa3: {  	[sflag:s23] =	ssyncset.done $0x0  }
0xa4: {  	s25 =	simm.s32 $0x1B8E;
	s24 =	sld [smem:$0x3FFE];
	[sflag:s23] =	ssyncadd.s32 $0xFFFFFFFF  }
0xa5: {  	s26 =	simm.s32 $execute0_lowered;
	[smem:$0x3FD2] =	sst s25  }
0xa6: {  	s4 =	sshll.u32 s26, $0x1;
	_ =	strace $0x80000049;
	[dreg:$0x1] =	wrdreg $0xFFFFFFFF  }
0xa7: {  	s28 =	simm.s32 $_size_execute0_lowered;
	s2 =	sadd.s32 s2, s4;
	[dreg:$0x0] =	wrdreg $0x0  }
0xa8: {  	s4 =	sshll.u32 s28, $0x1;
	[dreg:$0x2] =	wrdreg s2  }
0xa9: {  	[dreg:$0x3] =	wrdreg s4  }
0xaa: {  	[dreg:$0x4] =	wrdreg $0xC0  }
0xab: {  	_ =	task [dreg:s6], $0x5FFFF  }
0xac: {  	[dreg:$0x1] =	wrdreg $0xFFFFFFFF  }
0xad: {  	[dreg:$0x0] =	wrdreg $0x60  }
0xae: {  	[dreg:$0x2] =	wrdreg s24  }
0xaf: {  	[dreg:$0x3] =	wrdreg $0x0  }
0xb0: {  	[dreg:$0x4] =	wrdreg $0x9  }
0xb1: {  	_ =	task.clear_ibuf [dreg:s6], $0x5FFFF;
	_ =	strace $0x90000049  }
0xb2: {  	s29 =	simm.s32 $0x9;
	_ =	strace $0x8000004B  }
0xb3: {  	_ =	swait.ge [sflag:s29], $0x1  }
0xb4: {  	[sflag:s29] =	ssyncadd.s32 $0xFFFFFFFF  }
0xb5: {  	_ =	strace $0x9000004B  }
0xb6: {  	_ =	sfence  }
0xb7: {  	s30 =	sld [smem:$0x0];
	_ =	sdelay $0x2  }
0xb8: {  	s31 =	sshll.u32 s1, $0xD;
	s1 =	sshrl.u32 s1, $0x2  }
0xb9: {  	s3 =	sand.u32 $0x4000, s31;
	s1 =	sadd.s32 s1, s30  }
0xba: {  	s0 =	sor.u32 s3, s0;
	s1 =	sshll.u32 s1, $0x11  }
0xbb: {  	s0 =	sor.u32 s1, s0  }
0xbc: {  	s0 =	sadd.s32 $0x8F2B, s0  }
0xbd: {  	[sflag:s0] =	ssyncadd.remote.s32 $0x1  }
0xbe: {  	_ =	sfence.sel $0xFFFF  }
0xbf: {  	[dreg:$0x0] =	wrdreg $0xFFFFFFFF;
	(pc) =	sbr.abs _section_cstart, $3  }
0xc0: {  	[dreg:$0x1] =	wrdreg $0xFFFFFFFF  }
0xc1: {  	_ =	task.clear_ibuf [dreg:s6], $0x2FFFF;
	_ =	strace $0x9FFFFFFF  }
0xc2: {  	(tm) =	ssettm $0x7FFFFFFF  }
0xc3: {  	_ =	shalt  }
tec
execute0_lowered:
.L_overlay_start_1:
0x0: {  	(tag) =	ssettag $0x1  }
0x1: {  	s1 =	srdreg.scid  }
0x2: {  	s0 =	stileid.u32;
	s6 =	rddreg [dreg:$0x0]  }
0x3: {  	s2 =	rddreg [dreg:$0x1];
	s3 =	simm.s32 $0x0;
	s14 =	simm.s32 $0x18C00  }
0x4: {  	s15 =	simm.s32 $0x2;
	s16 =	simm.s32 $0x13C00;
	s17 =	simm.s32 $0x16400  }
0x5: {  	s18 =	simm.s32 $0x80;
	s19 =	simm.s32 $0x1;
	s5 =	sand.u32 $0x1, s1  }
0x6: {  	s26 =	sshll.u32 s0, $0x1;
	[smem:$0x7FF] =	sst s3;
	s9 =	smul.u32 $0x13C00, s0  }
0x7: {  	s10 =	smul.u32 $0x4F000, s0;
	s4 =	sadd.s32 $0x16600, s6;
	s20 =	sshll.u32 s0, $0x6  }
0x8: {  	s1 =	sor.u32 s5, s26;
	s8 =	smul.u32 $0x13C000, s5;
	s29 =	ssub.s32 $0x2, s5  }
0x9: {  	s20 =	sor.u32 $0x1C02, s20;
	s7 =	smul.u32 $0x500, s1;
	s1 =	rddreg [dreg:$0x2]  }
0xa: {  	_ =	strace $0x8000004A;
	s30 =	sshrl.u32 s10, $0x2;
	s31 =	sshrl.u32 s29, $0x1  }
0xb: {  	s28 =	sadd.s32 s9, s8;
	s5 =	sadd.s32 s30, s2;
	s13 =	ssub.s32 s29, s31  }
0xc: {  	s11 =	sadd.s32 s7, s6;
	s7 =	sshrl.u32 s28, $0x3;
	s8 =	sadd.s32 $0xC000, s5  }
0xd: {  	s9 =	sadd.s32 $0x10000, s5;
	s13 =	smax.u32 s13, $0x1;
	s21 =	sshrl.u32 s5, $0x3  }
0xe: {  	s12 =	sadd.s32 s7, s6;
	s6 =	sadd.s32 $0x4000, s5;
	s7 =	sadd.s32 $0x8000, s5  }
0xf: {  	v0 =	vimm.f32 $0.0e+00;
	s10 =	sadd.s32 $0xC600, s11;
	s11 =	sadd.s32 $0x2600, s11;
	s12 =	sadd.s32 $0x3D800, s12  }
.LBB2_1:
0x10: {  	s22 =	simm.s32 $0x0;
	s23 =	simm.s32 $0x200  }
.LBB2_2:
0x11: {  	p0 =	sne.s32 s23, $0xFE00;
	[tilespmem:s22+$0x18C70] =	vst v0  }
0x12: {  	[tilespmem:s22+$0x18C00] =	vst v0  }
0x13: {  	[tilespmem:s22+$0x18C10] =	vst v0  }
.Ltmp0:
0x14: {  	[tilespmem:s22+$0x18C20] =	vst v0;
	(pc) =	sbr.rel @p0 .LBB2_2-.Ltmp0, $4  }
0x15: {  	[tilespmem:s22+$0x18C30] =	vst v0  }
0x16: {  	[tilespmem:s22+$0x18C40] =	vst v0  }
0x17: {  	[tilespmem:s22+$0x18C50] =	vst v0  }
0x18: {  	[tilespmem:s22+$0x18C60] =	vst v0;
	s22 =	sshra.s32 s23, $0x2;
	s23 =	sadd.s32 $0x200, s23  }
0x19: {  	[tilespmem:s22+$0x18C70] =	vst v0  }
0x1a: {  	[tilespmem:s22+$0x18C00] =	vst v0  }
0x1b: {  	[tilespmem:s22+$0x18C10] =	vst v0  }
0x1c: {  	[tilespmem:s22+$0x18C20] =	vst v0  }
0x1d: {  	[tilespmem:s22+$0x18C30] =	vst v0  }
0x1e: {  	[tilespmem:s22+$0x18C40] =	vst v0  }
0x1f: {  	[tilespmem:s22+$0x18C50] =	vst v0  }
0x20: {  	[tilespmem:s22+$0x18C60] =	vst v0  }
0x21: {  	[spmem:s5] =	stream.linear.scatter [tilespmem:s14], [sflag:$0x2], $0x4000, $0x38;
	[tilespmem:$0x1CC00] =	vst v63  }
0x22: {  	_ =	swait.ge [sflag:s15], $0x4000  }
0x23: {  	[sflag:s15] =	ssyncset.done $0x0  }
0x24: {  	[sflag:s15] =	ssyncadd.s32 $0xFFFFC000  }
0x25: {  	[spmem:s6] =	stream.linear.scatter [tilespmem:s14], [sflag:$0x2], $0x4000, $0x38;
	[tilespmem:$0x1CC00] =	vst v63  }
0x26: {  	_ =	swait.ge [sflag:s15], $0x4000  }
0x27: {  	[sflag:s15] =	ssyncset.done $0x0  }
0x28: {  	[sflag:s15] =	ssyncadd.s32 $0xFFFFC000  }
0x29: {  	[spmem:s7] =	stream.linear.scatter [tilespmem:s14], [sflag:$0x2], $0x4000, $0x38;
	[tilespmem:$0x1CC00] =	vst v63  }
0x2a: {  	_ =	swait.ge [sflag:s15], $0x4000  }
0x2b: {  	[sflag:s15] =	ssyncset.done $0x0  }
0x2c: {  	[sflag:s15] =	ssyncadd.s32 $0xFFFFC000  }
0x2d: {  	[spmem:s8] =	stream.linear.scatter [tilespmem:s14], [sflag:$0x2], $0x4000, $0x38;
	[tilespmem:$0x1CC00] =	vst v63  }
0x2e: {  	_ =	swait.ge [sflag:s15], $0x4000  }
0x2f: {  	[sflag:s15] =	ssyncset.done $0x0  }
0x30: {  	[sflag:s15] =	ssyncadd.s32 $0xFFFFC000  }
0x31: {  	[spmem:s9] =	stream.linear.scatter [tilespmem:s14], [sflag:$0x2], $0x3C00, $0x38;
	[tilespmem:$0x1CC00] =	vst v63  }
0x32: {  	_ =	swait.ge [sflag:s15], $0x3C00  }
0x33: {  	[sflag:s15] =	ssyncset.done $0x0  }
0x34: {  	s29 =	simm.s32 $0x0;
	[sflag:s15] =	ssyncadd.s32 $0xFFFFC400  }
0x35: {  	[tilespmem:s16], [sflag:$0x2] =	stream.linear.gather [hbm4b:s10+s29], $0x2800, $0x38;
	[tilespmem:$0x1CC00] =	vst v63  }
0x36: {  	_ =	swait.ge [sflag:s15], $0x2800  }
0x37: {  	[sflag:s15] =	ssyncset.done $0x0  }
0x38: {  	[sflag:s15] =	ssyncadd.s32 $0xFFFFD800  }
0x39: {  	[tilespmem:s17], [sflag:$0x2] =	stream.linear.gather [hbm4b:s11+s29], $0x2800, $0x38;
	[tilespmem:$0x1CC00] =	vst v63  }
0x3a: {  	_ =	swait.ge [sflag:s15], $0x2800  }
0x3b: {  	[sflag:s15] =	ssyncset.done $0x0  }
0x3c: {  	[sflag:s15] =	ssyncadd.s32 $0xFFFFD800  }
0x3d: {  	s30 =	simm.s32 $0x13C00;
	[bflag:$0x0] =	sbarrier.arrive $0xFFFF  }
0x3e: {  	[tilespmem:s14], [sflag:$0x1] =	stream.indirect.gather [hbm4b:s4+s18], $0x80, s30, s18, $0xb8;
	[tilespmem:$0x1CC00] =	vst v63  }
0x3f: {  	_ =	swait.ge [sflag:s19], $0x4000  }
0x40: {  	[sflag:s19] =	ssyncset.done $0x0  }
0x41: {  	s31 =	simm.s32 $0x16400;
	[sflag:s19] =	ssyncadd.s32 $0xFFFFC000  }
0x42: {  	[spmem:s2] =	stream.indirect.scatter.add.f32 [tilespmem:s14], [sflag:$0x2], $0x80, s31, s18, $0xb8;
	[tilespmem:$0x1CC00] =	vst v63  }
0x43: {  	_ =	swait.ge [sflag:s15], $0x4000  }
0x44: {  	s23 =	simm.s32 $0x400;
	s22 =	simm.s32 $0x80;
	[sflag:s15] =	ssyncset.done $0x0  }
.LBB2_4:
0x45: {  	s24 =	sadd.s32 $0x13C00, s22  }
0x46: {  	[sflag:s15] =	ssyncadd.s32 $0xFFFFC000;
	s25 =	smov.u32 s23;
	s26 =	sadd.s32 $0x200, s23  }
0x47: {  	[tilespmem:s14], [sflag:$0x1] =	stream.indirect.gather [hbm4b:s4+s18], $0x80, s24, s18, $0xb8;
	[tilespmem:$0x1CC00] =	vst v63  }
0x48: {  	p0 =	sne.s32 s23, $0x9E00;
	_ =	swait.ge [sflag:s19], $0x4000  }
.Ltmp1:
0x49: {  	[sflag:s19] =	ssyncset.done $0x0;
	(pc) =	sbr.rel @p0 .LBB2_4-.Ltmp1, $4  }
0x4a: {  	s22 =	sadd.s32 $0x16400, s22;
	[sflag:s19] =	ssyncadd.s32 $0xFFFFC000  }
0x4b: {  	[spmem:s2] =	stream.indirect.scatter.add.f32 [tilespmem:s14], [sflag:$0x2], $0x80, s22, s18, $0xb8;
	[tilespmem:$0x1CC00] =	vst v63  }
0x4c: {  	_ =	swait.ge [sflag:s15], $0x4000  }
0x4d: {  	s23 =	smov.u32 s26;
	s22 =	sshra.s32 s25, $0x2;
	[sflag:s15] =	ssyncset.done $0x0  }
0x4e: {  	s23 =	sadd.s32 $0x13C00, s22;
	[sflag:s15] =	ssyncadd.s32 $0xFFFFC000  }
0x4f: {  	[tilespmem:s14], [sflag:$0x1] =	stream.indirect.gather [hbm4b:s4+s18], $0x80, s23, s18, $0xb8;
	[tilespmem:$0x1CC00] =	vst v63  }
0x50: {  	_ =	swait.ge [sflag:s19], $0x4000  }
0x51: {  	[sflag:s19] =	ssyncset.done $0x0  }
0x52: {  	s31 =	sadd.s32 $0x16400, s22;
	[sflag:s19] =	ssyncadd.s32 $0xFFFFC000  }
0x53: {  	[spmem:s2] =	stream.indirect.scatter.add.f32 [tilespmem:s14], [sflag:$0x2], $0x80, s31, s18, $0xb8;
	[tilespmem:$0x1CC00] =	vst v63  }
0x54: {  	_ =	swait.ge [sflag:s15], $0x4000  }
0x55: {  	s3 =	sadd.s32 $0x1, s3;
	[sflag:s15] =	ssyncset.done $0x0  }
0x56: {  	p0 =	sne.s32 s3, s13;
	[sflag:s15] =	ssyncadd.s32 $0xFFFFC000  }
.Ltmp2:
0x57: {  	[bflag:$0x0] =	sbarrier.arrive $0xFFFF;
	(pc) =	sbr.rel @p0 .LBB2_1-.Ltmp2, $4  }
0x58: {  	[hbm:s12], [sflag:s20] =	dma.local [spmem:s21], $0x2780  }
0x59: {  	_ =	swait.ge [sflag:s15], $0x2780  }
0x5a: {  	[sflag:s15] =	ssyncset.done $0x0  }
0x5b: {  	[sflag:s15] =	ssyncadd.s32 $0xFFFFD880  }
0x5c: {  	_ =	sfence.sel $0x180000  }
0x5d: {  	[bflag:$0x0] =	sbarrier.arrive $0xFFFF  }
0x5e: {  	p0 =	sne.s32 s0, $0x0;
	_ =	strace $0x9000004A  }
0x5f: {  	s0 =	sadd.s32 @!p0 $0x100000, s1;
	[bflag:$0x2] =	sbarrier.arrive $0xFFFF  }
0x60: {  	[sflag:s0] =	ssyncadd.tile.s32 @!p0 $0x1;
	_ =	shalt  }
.Lfunc_end2:
_tile_overlayer_lowered:
.L_overlay_start_2:
0x61: {  	(tag) =	ssettag $0x2  }
0x62: {  	s0 =	rddreg [dreg:$0x0];
	s2 =	stileid.u32  }
0x63: {  	s1 =	rddreg [dreg:$0x1];
	p0 =	sne.s32 s2, $0x0  }
0x64: {  	s3 =	rddreg [dreg:$0x2];
	[bflag:$0x3] =	sbarrier.arrive $0xFFFF;
	s2 =	simm.s32 @!p0 $0x1C02  }
0x65: {  	[timem:s3], [sflag:s2] =	dma.local @!p0 [hbm:s0], s1  }
0x66: {  	s0 =	simm.s32 @!p0 $0x2  }
0x67: {  	_ =	swait.ge @!p0 [sflag:s0], s1  }
0x68: {  	s1 =	ssub.s32 @!p0 $0x0, s1;
	[sflag:s0] =	ssyncset.done @!p0 $0x0  }
0x69: {  	[sflag:s0] =	ssyncadd.s32 @!p0 s1  }
0x6a: {  	[bflag:$0x3] =	sbarrier.arrive $0xFFFF  }
0x6b: {  	_ =	shalt  }

// kernel: kernel.7.cloned.1.call-start
scs
__scs_entry_jumppad:
0x0: {  	(pc) =	sbr.rel $0x88, $3  }
0x1: {  	(tag) =	ssettag $0x0;
	lr =	simm.s32 $0x1  }
0x2: {  	[smem:$0x3F96] =	sst lr;
	_ =	strace $0xD0000000  }
0x3: {  	_ = 	snop  }
0x4: {  	_ = 	snop  }
0x5: {  	_ = 	snop  }
0x6: {  	_ = 	snop  }
0x7: {  	_ = 	snop  }
__scs_overlays_trampoline_lowered:
0x8: {  	[smem:$0x3FA5] =	sst s0  }
0x9: {  	[smem:$0x3FA6] =	sst s1  }
0xa: {  	[smem:$0x3FA7] =	sst s2  }
0xb: {  	[smem:$0x3FA8] =	sst s3  }
0xc: {  	[smem:$0x3FA9] =	sst s4  }
0xd: {  	[smem:$0x3FAA] =	sst s5  }
0xe: {  	[smem:$0x3FAB] =	sst s6  }
0xf: {  	[smem:$0x3FAC] =	sst s7  }
0x10: {  	[smem:$0x3FAD] =	sst s8  }
0x11: {  	[smem:$0x3FAE] =	sst s9;
	s0 =	simm.s32 @!p0 $0x0  }
0x12: {  	s1 =	sld [smem:$0x3F94];
	s0 =	simm.s32 @p0 $0x1  }
0x13: {  	[smem:$0x3FAF] =	sst s0;
	s0 =	simm.s32 @!p1 $0x0  }
0x14: {  	s2 =	sld [smem:$0x3F93];
	s0 =	simm.s32 @p1 $0x1  }
0x15: {  	[smem:$0x3FB0] =	sst s0;
	s0 =	simm.s32 @!p2 $0x0  }
0x16: {  	s3 =	sld [smem:$0x3FDB];
	s0 =	simm.s32 @p2 $0x1  }
0x17: {  	s4 =	simm.s32 $0x1BF5;
	[smem:$0x3FB2] =	sst s0  }
0x18: {  	s0 =	sld [smem:$0x3F95];
	_ =	swait.ge [sflag:s4], $0x0  }
0x19: {  	s7 =	sld [smem:$0x3F96]  }
0x1a: {  	s8 =	sadd.s32 $0xFFFFE003, lr  }
0x1b: {  	s9 =	sadd.s32 $0xFFFFFEF7, lr;
	s5 =	simm.s32 $0xFFFFFFFF;
	p2 =	slt.u32 s8, $0xFFFFF086  }
0x1c: {  	p1 =	slt.u32 s9, $0xF7A;
	s5 =	simm.s32 @!p2 $0x0  }
0x1d: {  	s5 =	simm.s32 @p1 $0x1;
	p0 =	seq.s32 s7, s2  }
0x1e: {  	s7 =	smul.u32 @!p0 $0xF7A, s2;
	p2 =	seq.s32 @!p0 s5, $0x0  }
0x1f: {  	s9 =	smul.u32 $0xF7A, s1;
	s8 =	simm.s32 @!p0 $0x1BF5;
	p2 =	por !p2, p0  }
0x20: {  	[sflag:s8] =	ssyncset.s32 @!p0 $0xFFFFF086;
	s6 =	sadd.s32 @!p0 s3, s7;
	s7 =	simm.s32 @!p0 $0x108  }
0x21: {  	s3 =	sadd.s32 s3, s9;
	s6 =	sadd.s32 @!p0 $0x88, s6;
	s7 =	simm.s32 @p2 $0x1082  }
0x22: {  	[simem:s7], [sflag:s8] =	dma.local @!p0 [hbm:s6], $0xF7A  }
0x23: {  	s9 =	sor.u32 $0xD0000000, s2;
	s6 =	simm.s32 $0x108;
	_ =	swait.ge @!p0 [sflag:s8], $0x0  }
0x24: {  	s3 =	sadd.s32 $0x88, s3;
	s6 =	simm.s32 @!p1 $0x1082;
	[sflag:s4] =	ssyncset.s32 $0xFFFFF086  }
0x25: {  	[simem:s6], [sflag:s4] =	dma.local [hbm:s3], $0xF7A  }
0x26: {  	[smem:$0x3F96] =	sst s1;
	(tag) =	ssettag s2;
	_ =	strace s9  }
0x27: {  	s1 =	sld [smem:$0x3FA6]  }
0x28: {  	s2 =	sld [smem:$0x3FA7]  }
0x29: {  	s4 =	sld [smem:$0x3FA9]  }
0x2a: {  	p0 =	seq.s32 s5, $0x0;
	s5 =	sld [smem:$0x3FAA]  }
0x2b: {  	s6 =	sld [smem:$0x3FAB]  }
0x2c: {  	s7 =	sld [smem:$0x3FAC]  }
0x2d: {  	s3 =	simm.s32 $0x108;
	s8 =	sld [smem:$0x3FAD]  }
0x2e: {  	s3 =	simm.s32 @!p0 $0x1082;
	s9 =	sld [smem:$0x3FAE]  }
0x2f: {  	lr =	sadd.s32 s0, s3;
	s0 =	sld [smem:$0x3FA5]  }
0x30: {  	s3 =	sld [smem:$0x3FA8]  }
0x31: {  	[smem:$0x3FB1] =	sst s10  }
0x32: {  	s10 =	sld [smem:$0x3FAF];
	_ =	sdelay $0x3  }
0x33: {  	p0 =	seq.s32 s10, $0x1;
	s10 =	sld [smem:$0x3FB1];
	_ =	sdelay $0x3  }
0x34: {  	[smem:$0x3FB1] =	sst s10  }
0x35: {  	s10 =	sld [smem:$0x3FB0];
	_ =	sdelay $0x3  }
0x36: {  	p1 =	seq.s32 s10, $0x1;
	s10 =	sld [smem:$0x3FB1];
	_ =	sdelay $0x3  }
0x37: {  	[smem:$0x3FB1] =	sst s10  }
0x38: {  	s10 =	sld [smem:$0x3FB2]  }
0x39: {  	_ = 	snop;
	(pc) =	sbr.ind lr, $3  }
0x3a: {  	_ = 	snop  }
0x3b: {  	_ = 	snop  }
0x3c: {  	p2 =	seq.s32 s10, $0x1;
	s10 =	sld [smem:$0x3FB1]  }
0x3d: {  	_ =	shalt  }
0x3e: {  	_ =	shalt  }
0x3f: {  	_ =	shalt  }
0x40: {  	_ =	shalt  }
0x41: {  	_ =	shalt  }
0x42: {  	_ =	shalt  }
0x43: {  	_ =	shalt  }
0x44: {  	_ =	shalt  }
0x45: {  	_ =	shalt  }
0x46: {  	_ =	shalt  }
0x47: {  	_ =	shalt  }
0x48: {  	_ =	shalt  }
0x49: {  	_ =	shalt  }
0x4a: {  	_ =	shalt  }
0x4b: {  	_ =	shalt  }
0x4c: {  	_ =	shalt  }
0x4d: {  	_ =	shalt  }
0x4e: {  	_ =	shalt  }
0x4f: {  	_ =	shalt  }
0x50: {  	_ =	shalt  }
0x51: {  	_ =	shalt  }
0x52: {  	_ =	shalt  }
0x53: {  	_ =	shalt  }
0x54: {  	_ =	shalt  }
0x55: {  	_ =	shalt  }
0x56: {  	_ =	shalt  }
0x57: {  	_ =	shalt  }
0x58: {  	_ =	shalt  }
0x59: {  	_ =	shalt  }
0x5a: {  	_ =	shalt  }
0x5b: {  	_ =	shalt  }
0x5c: {  	_ =	shalt  }
0x5d: {  	_ =	shalt  }
0x5e: {  	_ =	shalt  }
0x5f: {  	_ =	shalt  }
0x60: {  	_ =	shalt  }
0x61: {  	_ =	shalt  }
0x62: {  	_ =	shalt  }
0x63: {  	_ =	shalt  }
0x64: {  	_ =	shalt  }
0x65: {  	_ =	shalt  }
0x66: {  	_ =	shalt  }
0x67: {  	_ =	shalt  }
0x68: {  	_ =	shalt  }
0x69: {  	_ =	shalt  }
0x6a: {  	_ =	shalt  }
0x6b: {  	_ =	shalt  }
0x6c: {  	_ =	shalt  }
0x6d: {  	_ =	shalt  }
0x6e: {  	_ =	shalt  }
0x6f: {  	_ =	shalt  }
0x70: {  	_ =	shalt  }
0x71: {  	_ =	shalt  }
0x72: {  	_ =	shalt  }
0x73: {  	_ =	shalt  }
0x74: {  	_ =	shalt  }
0x75: {  	_ =	shalt  }
0x76: {  	_ =	shalt  }
0x77: {  	_ =	shalt  }
0x78: {  	_ =	shalt  }
0x79: {  	_ =	shalt  }
0x7a: {  	_ =	shalt  }
0x7b: {  	_ =	shalt  }
0x7c: {  	_ =	shalt  }
0x7d: {  	_ =	shalt  }
0x7e: {  	_ =	shalt  }
0x7f: {  	_ =	shalt  }
0x80: {  	_ =	shalt  }
0x81: {  	_ =	shalt  }
0x82: {  	_ =	shalt  }
0x83: {  	_ =	shalt  }
0x84: {  	_ =	shalt  }
0x85: {  	_ =	shalt  }
0x86: {  	_ =	shalt  }
0x87: {  	_ =	shalt  }
.Lfunc_end0:
.L_simem_size_0:
called_computation_lowered:
.L_overlay_start_0:
0x88: {  	s2 =	sld [smem:$0x3FD9]  }
0x89: {  	s3 =	sld [smem:$0x3FFE];
	_ =	sdelay $0x1  }
0x8a: {  	s1 =	srdreg.scid  }
0x8b: {  	s0 =	sand.u32 $0x1, s1  }
0x8c: {  	s17 =	sshll.u32 s0, $0xA;
	s2 =	sadd.s32 s3, s2  }
0x8d: {  	s2 =	sadd.s32 s2, s17  }
0x8e: {  	[smem:$0x3FBD] =	sst s2  }
0x8f: {  	_ = 	snop  }
0x90: {  	s2 =	sld [smem:$0x3FC9];
	(tm) =	ssettm $0x1  }
0x91: {  	s18 =	sld [smem:$0x3FFB];
	_ =	sdelay $0x3  }
0x92: {  	_ =	strace s18  }
0x93: {  	s3 =	sld [smem:$0x3FFC];
	_ =	sdelay $0x3  }
0x94: {  	_ =	strace s3  }
0x95: {  	s3 =	sld [smem:$0x3FFD];
	_ =	sdelay $0x3  }
0x96: {  	_ =	strace s3  }
0x97: {  	_ =	strace $0x8FFFFFFF  }
0x98: {  	s19 =	sld [smem:$0x3FDB];
	_ =	sdelay $0x1  }
0x99: {  	s4 =	simm.s32 $_scs_section_size  }
0x9a: {  	s5 =	simm.s32 $_size__tile_overlayer_lowered;
	s6 =	simm.s32 $_tile_overlayer_lowered  }
0x9b: {  	s22 =	simm.s32 $0x1BFF;
	s21 =	sshll.u32 s6, $0x1;
	s3 =	sadd.s32 s4, s19  }
0x9c: {  	s7 =	simm.s32 $0x0;
	s20 =	sshll.u32 s5, $0x1;
	s5 =	sadd.s32 s21, s3  }
0x9d: {  	[timem:s7], [sflag:s22] =	dma.local [hbm:s5], s20  }
0x9e: {  	_ =	swait.ge [sflag:s22], s20  }
0x9f: {  	s4 =	ssub.s32 $0x0, s20;
	[sflag:s22] =	ssyncset.done $0x0  }
0xa0: {  	[sflag:s22] =	ssyncadd.s32 s4;
	_ =	sdelay $0x1  }
0xa1: {  	s23 =	simm.s32 $0x1B8B  }
0xa2: {  	_ =	swait.ge [sflag:s23], $0x1  }
0xa3: {  	[sflag:s23] =	ssyncset.done $0x0  }
0xa4: {  	s25 =	simm.s32 $0x1B8E;
	s24 =	sld [smem:$0x3FFE];
	[sflag:s23] =	ssyncadd.s32 $0xFFFFFFFF  }
0xa5: {  	s26 =	simm.s32 $execute0_lowered;
	[smem:$0x3FD2] =	sst s25  }
0xa6: {  	s5 =	sshll.u32 s26, $0x1;
	_ =	strace $0x80000046;
	[dreg:$0x1] =	wrdreg $0xFFFFFFFF  }
0xa7: {  	s28 =	simm.s32 $_size_execute0_lowered;
	s3 =	sadd.s32 s3, s5;
	[dreg:$0x0] =	wrdreg $0x0  }
0xa8: {  	s5 =	sshll.u32 s28, $0x1;
	[dreg:$0x2] =	wrdreg s3  }
0xa9: {  	[dreg:$0x3] =	wrdreg s5  }
0xaa: {  	[dreg:$0x4] =	wrdreg $0xC0  }
0xab: {  	_ =	task [dreg:s7], $0x5FFFF  }
0xac: {  	[dreg:$0x1] =	wrdreg $0xFFFFFFFF  }
0xad: {  	[dreg:$0x0] =	wrdreg $0x60  }
0xae: {  	[dreg:$0x2] =	wrdreg s2  }
0xaf: {  	[dreg:$0x3] =	wrdreg s24  }
0xb0: {  	[dreg:$0x4] =	wrdreg $0x0  }
0xb1: {  	[dreg:$0x5] =	wrdreg $0x9  }
0xb2: {  	_ =	task.clear_ibuf [dreg:s7], $0x6FFFF;
	_ =	strace $0x90000046  }
0xb3: {  	s29 =	simm.s32 $0x9;
	_ =	strace $0x80000048  }
0xb4: {  	_ =	swait.ge [sflag:s29], $0x1  }
0xb5: {  	[sflag:s29] =	ssyncadd.s32 $0xFFFFFFFF  }
0xb6: {  	_ =	strace $0x90000048  }
0xb7: {  	_ =	sfence  }
0xb8: {  	s30 =	sld [smem:$0x0];
	_ =	sdelay $0x2  }
0xb9: {  	s31 =	sshll.u32 s1, $0xD;
	s1 =	sshrl.u32 s1, $0x2  }
0xba: {  	s3 =	sand.u32 $0x4000, s31;
	s1 =	sadd.s32 s1, s30  }
0xbb: {  	s0 =	sor.u32 s3, s0;
	s1 =	sshll.u32 s1, $0x11  }
0xbc: {  	s0 =	sor.u32 s1, s0  }
0xbd: {  	s0 =	sadd.s32 $0x8F2B, s0  }
0xbe: {  	[sflag:s0] =	ssyncadd.remote.s32 $0x1  }
0xbf: {  	_ =	sfence.sel $0xFFFF  }
0xc0: {  	[dreg:$0x0] =	wrdreg $0xFFFFFFFF;
	(pc) =	sbr.abs _section_cstart, $3  }
0xc1: {  	[dreg:$0x1] =	wrdreg $0xFFFFFFFF  }
0xc2: {  	_ =	task.clear_ibuf [dreg:s7], $0x2FFFF;
	_ =	strace $0x9FFFFFFF  }
0xc3: {  	(tm) =	ssettm $0x7FFFFFFF  }
tec
execute0_lowered:
.L_overlay_start_1:
0x0: {  	(tag) =	ssettag $0x1  }
0x1: {  	s2 =	rddreg [dreg:$0x0]  }
0x2: {  	s1 =	srdreg.scid;
	s6 =	rddreg [dreg:$0x1]  }
0x3: {  	s0 =	stileid.u32;
	s3 =	rddreg [dreg:$0x2];
	s4 =	simm.s32 $0x0  }
0x4: {  	s14 =	simm.s32 $0x18C00;
	s15 =	simm.s32 $0x2;
	s16 =	simm.s32 $0x13C00  }
0x5: {  	s17 =	simm.s32 $0x16400;
	s18 =	simm.s32 $0x80;
	s19 =	simm.s32 $0x1  }
0x6: {  	s5 =	sand.u32 $0x1, s1;
	s26 =	sshll.u32 s0, $0x1;
	s9 =	smul.u32 $0x13C00, s0  }
0x7: {  	[smem:$0x7FF] =	sst s4;
	s10 =	smul.u32 $0x4F000, s0;
	s20 =	sshll.u32 s0, $0x6  }
0x8: {  	s1 =	sor.u32 s5, s26;
	s8 =	smul.u32 $0x13C000, s5;
	s29 =	ssub.s32 $0x2, s5  }
0x9: {  	s20 =	sor.u32 $0x1C02, s20;
	s7 =	smul.u32 $0x500, s1;
	s1 =	rddreg [dreg:$0x3]  }
0xa: {  	_ =	strace $0x80000047;
	s30 =	sshrl.u32 s10, $0x2;
	s31 =	sshrl.u32 s29, $0x1  }
0xb: {  	s28 =	sadd.s32 s9, s8;
	s5 =	sadd.s32 s30, s3;
	s13 =	ssub.s32 s29, s31  }
0xc: {  	s11 =	sadd.s32 s7, s6;
	s7 =	sshrl.u32 s28, $0x3;
	s8 =	sadd.s32 $0xC000, s5  }
0xd: {  	s9 =	sadd.s32 $0x10000, s5;
	s13 =	smax.u32 s13, $0x1;
	s21 =	sshrl.u32 s5, $0x3  }
0xe: {  	s12 =	sadd.s32 s7, s6;
	s6 =	sadd.s32 $0x4000, s5;
	s7 =	sadd.s32 $0x8000, s5  }
0xf: {  	v0 =	vimm.f32 $0.0e+00;
	s10 =	sadd.s32 $0xC600, s11;
	s11 =	sadd.s32 $0x2600, s11;
	s12 =	sadd.s32 $0x16600, s12  }
.LBB2_1:
0x10: {  	s22 =	simm.s32 $0x0;
	s23 =	simm.s32 $0x200  }
.LBB2_2:
0x11: {  	p0 =	sne.s32 s23, $0xFE00;
	[tilespmem:s22+$0x18C70] =	vst v0  }
0x12: {  	[tilespmem:s22+$0x18C00] =	vst v0  }
0x13: {  	[tilespmem:s22+$0x18C10] =	vst v0  }
.Ltmp0:
0x14: {  	[tilespmem:s22+$0x18C20] =	vst v0;
	(pc) =	sbr.rel @p0 .LBB2_2-.Ltmp0, $4  }
0x15: {  	[tilespmem:s22+$0x18C30] =	vst v0  }
0x16: {  	[tilespmem:s22+$0x18C40] =	vst v0  }
0x17: {  	[tilespmem:s22+$0x18C50] =	vst v0  }
0x18: {  	[tilespmem:s22+$0x18C60] =	vst v0;
	s22 =	sshra.s32 s23, $0x2;
	s23 =	sadd.s32 $0x200, s23  }
0x19: {  	[tilespmem:s22+$0x18C70] =	vst v0  }
0x1a: {  	[tilespmem:s22+$0x18C00] =	vst v0  }
0x1b: {  	[tilespmem:s22+$0x18C10] =	vst v0  }
0x1c: {  	[tilespmem:s22+$0x18C20] =	vst v0  }
0x1d: {  	[tilespmem:s22+$0x18C30] =	vst v0  }
0x1e: {  	[tilespmem:s22+$0x18C40] =	vst v0  }
0x1f: {  	[tilespmem:s22+$0x18C50] =	vst v0  }
0x20: {  	[tilespmem:s22+$0x18C60] =	vst v0  }
0x21: {  	[spmem:s5] =	stream.linear.scatter [tilespmem:s14], [sflag:$0x2], $0x4000, $0x38;
	[tilespmem:$0x1CC00] =	vst v63  }
0x22: {  	_ =	swait.ge [sflag:s15], $0x4000  }
0x23: {  	[sflag:s15] =	ssyncset.done $0x0  }
0x24: {  	[sflag:s15] =	ssyncadd.s32 $0xFFFFC000  }
0x25: {  	[spmem:s6] =	stream.linear.scatter [tilespmem:s14], [sflag:$0x2], $0x4000, $0x38;
	[tilespmem:$0x1CC00] =	vst v63  }
0x26: {  	_ =	swait.ge [sflag:s15], $0x4000  }
0x27: {  	[sflag:s15] =	ssyncset.done $0x0  }
0x28: {  	[sflag:s15] =	ssyncadd.s32 $0xFFFFC000  }
0x29: {  	[spmem:s7] =	stream.linear.scatter [tilespmem:s14], [sflag:$0x2], $0x4000, $0x38;
	[tilespmem:$0x1CC00] =	vst v63  }
0x2a: {  	_ =	swait.ge [sflag:s15], $0x4000  }
0x2b: {  	[sflag:s15] =	ssyncset.done $0x0  }
0x2c: {  	[sflag:s15] =	ssyncadd.s32 $0xFFFFC000  }
0x2d: {  	[spmem:s8] =	stream.linear.scatter [tilespmem:s14], [sflag:$0x2], $0x4000, $0x38;
	[tilespmem:$0x1CC00] =	vst v63  }
0x2e: {  	_ =	swait.ge [sflag:s15], $0x4000  }
0x2f: {  	[sflag:s15] =	ssyncset.done $0x0  }
0x30: {  	[sflag:s15] =	ssyncadd.s32 $0xFFFFC000  }
0x31: {  	[spmem:s9] =	stream.linear.scatter [tilespmem:s14], [sflag:$0x2], $0x3C00, $0x38;
	[tilespmem:$0x1CC00] =	vst v63  }
0x32: {  	_ =	swait.ge [sflag:s15], $0x3C00  }
0x33: {  	[sflag:s15] =	ssyncset.done $0x0  }
0x34: {  	s29 =	simm.s32 $0x0;
	[sflag:s15] =	ssyncadd.s32 $0xFFFFC400  }
0x35: {  	[tilespmem:s16], [sflag:$0x2] =	stream.linear.gather [hbm4b:s10+s29], $0x2800, $0x38;
	[tilespmem:$0x1CC00] =	vst v63  }
0x36: {  	_ =	swait.ge [sflag:s15], $0x2800  }
0x37: {  	[sflag:s15] =	ssyncset.done $0x0  }
0x38: {  	[sflag:s15] =	ssyncadd.s32 $0xFFFFD800  }
0x39: {  	[tilespmem:s17], [sflag:$0x2] =	stream.linear.gather [hbm4b:s11+s29], $0x2800, $0x38;
	[tilespmem:$0x1CC00] =	vst v63  }
0x3a: {  	_ =	swait.ge [sflag:s15], $0x2800  }
0x3b: {  	[sflag:s15] =	ssyncset.done $0x0  }
0x3c: {  	[sflag:s15] =	ssyncadd.s32 $0xFFFFD800  }
0x3d: {  	s30 =	simm.s32 $0x13C00;
	[bflag:$0x0] =	sbarrier.arrive $0xFFFF  }
0x3e: {  	[tilespmem:s14], [sflag:$0x1] =	stream.indirect.gather [hbm4b:s2+s18], $0x80, s30, s18, $0xb8;
	[tilespmem:$0x1CC00] =	vst v63  }
0x3f: {  	_ =	swait.ge [sflag:s19], $0x4000  }
0x40: {  	[sflag:s19] =	ssyncset.done $0x0  }
0x41: {  	s31 =	simm.s32 $0x16400;
	[sflag:s19] =	ssyncadd.s32 $0xFFFFC000  }
0x42: {  	[spmem:s3] =	stream.indirect.scatter.add.f32 [tilespmem:s14], [sflag:$0x2], $0x80, s31, s18, $0xb8;
	[tilespmem:$0x1CC00] =	vst v63  }
0x43: {  	_ =	swait.ge [sflag:s15], $0x4000  }
0x44: {  	s23 =	simm.s32 $0x400;
	s22 =	simm.s32 $0x80;
	[sflag:s15] =	ssyncset.done $0x0  }
.LBB2_4:
0x45: {  	s24 =	sadd.s32 $0x13C00, s22  }
0x46: {  	[sflag:s15] =	ssyncadd.s32 $0xFFFFC000;
	s25 =	smov.u32 s23;
	s26 =	sadd.s32 $0x200, s23  }
0x47: {  	[tilespmem:s14], [sflag:$0x1] =	stream.indirect.gather [hbm4b:s2+s18], $0x80, s24, s18, $0xb8;
	[tilespmem:$0x1CC00] =	vst v63  }
0x48: {  	p0 =	sne.s32 s23, $0x9E00;
	_ =	swait.ge [sflag:s19], $0x4000  }
.Ltmp1:
0x49: {  	[sflag:s19] =	ssyncset.done $0x0;
	(pc) =	sbr.rel @p0 .LBB2_4-.Ltmp1, $4  }
0x4a: {  	s22 =	sadd.s32 $0x16400, s22;
	[sflag:s19] =	ssyncadd.s32 $0xFFFFC000  }
0x4b: {  	[spmem:s3] =	stream.indirect.scatter.add.f32 [tilespmem:s14], [sflag:$0x2], $0x80, s22, s18, $0xb8;
	[tilespmem:$0x1CC00] =	vst v63  }
0x4c: {  	_ =	swait.ge [sflag:s15], $0x4000  }
0x4d: {  	s23 =	smov.u32 s26;
	s22 =	sshra.s32 s25, $0x2;
	[sflag:s15] =	ssyncset.done $0x0  }
0x4e: {  	s23 =	sadd.s32 $0x13C00, s22;
	[sflag:s15] =	ssyncadd.s32 $0xFFFFC000  }
0x4f: {  	[tilespmem:s14], [sflag:$0x1] =	stream.indirect.gather [hbm4b:s2+s18], $0x80, s23, s18, $0xb8;
	[tilespmem:$0x1CC00] =	vst v63  }
0x50: {  	_ =	swait.ge [sflag:s19], $0x4000  }
0x51: {  	[sflag:s19] =	ssyncset.done $0x0  }
0x52: {  	s31 =	sadd.s32 $0x16400, s22;
	[sflag:s19] =	ssyncadd.s32 $0xFFFFC000  }
0x53: {  	[spmem:s3] =	stream.indirect.scatter.add.f32 [tilespmem:s14], [sflag:$0x2], $0x80, s31, s18, $0xb8;
	[tilespmem:$0x1CC00] =	vst v63  }
0x54: {  	_ =	swait.ge [sflag:s15], $0x4000  }
0x55: {  	s4 =	sadd.s32 $0x1, s4;
	[sflag:s15] =	ssyncset.done $0x0  }
0x56: {  	p0 =	sne.s32 s4, s13;
	[sflag:s15] =	ssyncadd.s32 $0xFFFFC000  }
.Ltmp2:
0x57: {  	[bflag:$0x0] =	sbarrier.arrive $0xFFFF;
	(pc) =	sbr.rel @p0 .LBB2_1-.Ltmp2, $4  }
0x58: {  	[hbm:s12], [sflag:s20] =	dma.local [spmem:s21], $0x2780  }
0x59: {  	_ =	swait.ge [sflag:s15], $0x2780  }
0x5a: {  	[sflag:s15] =	ssyncset.done $0x0  }
0x5b: {  	[sflag:s15] =	ssyncadd.s32 $0xFFFFD880  }
0x5c: {  	_ =	sfence.sel $0x180000  }
0x5d: {  	[bflag:$0x0] =	sbarrier.arrive $0xFFFF  }
0x5e: {  	p0 =	sne.s32 s0, $0x0;
	_ =	strace $0x90000047  }
0x5f: {  	s0 =	sadd.s32 @!p0 $0x100000, s1;
	[bflag:$0x2] =	sbarrier.arrive $0xFFFF  }
0x60: {  	[sflag:s0] =	ssyncadd.tile.s32 @!p0 $0x1;
	_ =	shalt  }
.Lfunc_end2:
_tile_overlayer_lowered:
.L_overlay_start_2:
0x61: {  	(tag) =	ssettag $0x2  }
0x62: {  	s0 =	rddreg [dreg:$0x0];
	s2 =	stileid.u32  }
0x63: {  	s1 =	rddreg [dreg:$0x1];
	p0 =	sne.s32 s2, $0x0  }
0x64: {  	s3 =	rddreg [dreg:$0x2];
	[bflag:$0x3] =	sbarrier.arrive $0xFFFF;
	s2 =	simm.s32 @!p0 $0x1C02  }
0x65: {  	[timem:s3], [sflag:s2] =	dma.local @!p0 [hbm:s0], s1  }
0x66: {  	s0 =	simm.s32 @!p0 $0x2  }
0x67: {  	_ =	swait.ge @!p0 [sflag:s0], s1  }
0x68: {  	s1 =	ssub.s32 @!p0 $0x0, s1;
	[sflag:s0] =	ssyncset.done @!p0 $0x0  }
0x69: {  	[sflag:s0] =	ssyncadd.s32 @!p0 s1  }
0x6a: {  	[bflag:$0x3] =	sbarrier.arrive $0xFFFF  }
0x6b: {  	_ =	shalt  }

</sc_bundles>
